<compile_context>
chip_gen: v7x
topology: tpu7x:2x2x1
jax: 0.10.2.dev20260603
libtpu: 0.0.44.dev20260713+nightly
codegen_flags: <defaults>
</compile_context>

<pallas_src>
import jax
import jax.numpy as jnp
from jax import lax
from jax.experimental import pallas as pl
from jax.experimental.pallas import tpu as pltpu
from jax.experimental.pallas import tpu_sc as plsc

_B, _P, _V, _C = 16384, 50, 39, 32
_ROWS = _B * _P
_T = _P * _V
_NW = 32
_CH = 128
_S = 256
_SR = _S // _CH
_IR = _S // _C
_NST = _ROWS // (_NW * _S)


def _table_body(w_ref, pe_ref, o_ref):
    o_ref[...] = w_ref[...] + pe_ref[...]


def _build_table(embed_weight, pe):
    w_flat = embed_weight.reshape(1, _V * _C)
    pe_tiled = jnp.tile(pe[0], (1, _V))
    t2 = pl.pallas_call(
        _table_body,
        out_shape=jax.ShapeDtypeStruct((_P, _V * _C), jnp.float32),
    )(w_flat, pe_tiled)
    return t2.reshape(_T, _C)


def _make_sc_kernel():
    mesh = plsc.VectorSubcoreMesh(core_axis_name="c", subcore_axis_name="s")

    def body(tbl_hbm, xi_hbm, out_hbm,
             tbl_sh, ridx0, ridx1, idxf0, idxf1, stg0, stg1,
             semg, semwb0, semwb1):
        @pl.when(lax.axis_index("s") == 0)
        def _():
            pltpu.sync_copy(tbl_hbm, tbl_sh)

        plsc.subcore_barrier()

        wid = lax.axis_index("s") * 2 + lax.axis_index("c")
        iota16 = lax.iota(jnp.int32, 16)
        bufs = ((ridx0, idxf0, stg0, semwb0), (ridx1, idxf1, stg1, semwb1))

        def do_stage(st, b, not_first):
            not_first = jnp.asarray(not_first, dtype=jnp.bool_)
            ridx, idxf, stg, semwb = bufs[b]
            snum = wid * _NST + st
            irow0 = pl.multiple_of(snum * _IR, 8)
            row0 = pl.multiple_of(snum * _S, 8)
            pltpu.sync_copy(xi_hbm.at[pl.ds(irow0, _IR)], ridx)
            for n0 in range(0, _S, 16):
                rows = (row0 + n0) + iota16
                idxf[n0 // _CH, pl.ds(n0 % _CH, 16)] = (
                    ridx[n0 // _C, pl.ds(n0 % _C, 16)] + _V * lax.rem(rows, _P)
                )
            @pl.when(not_first)
            def _():
                pltpu.make_async_copy(
                    stg, out_hbm.at[pl.ds(0, _S)], semwb).wait()
            copies = [
                pltpu.async_copy(
                    tbl_sh.at[idxf.at[j]],
                    stg.at[pl.ds(j * _CH, _CH)],
                    semg,
                )
                for j in range(_SR)
            ]
            for c in copies:
                c.wait()
            pltpu.async_copy(stg, out_hbm.at[pl.ds(row0, _S)], semwb)

        @pl.loop(0, _NST // 2)
        def _(gg):
            do_stage(gg * 2, 0, gg > 0)
            do_stage(gg * 2 + 1, 1, gg > 0)

        pltpu.make_async_copy(stg0, out_hbm.at[pl.ds(0, _S)], semwb0).wait()
        pltpu.make_async_copy(stg1, out_hbm.at[pl.ds(0, _S)], semwb1).wait()

    return pl.kernel(
        body,
        out_type=jax.ShapeDtypeStruct((_ROWS, _C), jnp.float32),
        mesh=mesh,
        scratch_types=[
            pltpu.VMEM_SHARED((_T, _C), jnp.float32),
            pltpu.VMEM((_IR, _C), jnp.int32),
            pltpu.VMEM((_IR, _C), jnp.int32),
            pltpu.VMEM((_SR, _CH), jnp.int32),
            pltpu.VMEM((_SR, _CH), jnp.int32),
            pltpu.VMEM((_S, _C), jnp.float32),
            pltpu.VMEM((_S, _C), jnp.float32),
            pltpu.SemaphoreType.DMA,
            pltpu.SemaphoreType.DMA,
            pltpu.SemaphoreType.DMA,
        ],
    )


def kernel(x, embed_weight, pe):
    tbl = _build_table(embed_weight, pe)
    xi = x.reshape(_ROWS // _C, _C).astype(jnp.int32)
    out = _make_sc_kernel()(tbl, xi)
    return out.reshape(_B, _P, _C)

# --- scband reference (transcript-rebuilt; emitter-appended) ---
"""Pipeline reference for scband-position-embedding-20633022890580 (READ-ONLY COPY).

The authoritative reference and input builder live on the scoring server;
editing this copy changes nothing except your own understanding.
"""

import jax, jax.numpy as jnp
import numpy as np


def _make_pe():
    pos = np.arange(50, dtype=np.float64)[:, None]
    i = np.arange(32, dtype=np.float64)[None, :]
    fenmu = 10000.0 ** (2.0 * i / 32.0)
    angle = pos / fenmu
    pe = np.where((np.arange(32)[None, :] % 2) == 0, np.sin(angle), np.cos(angle))
    return jnp.asarray(pe[None, :, :], dtype=jnp.float32)


def setup_inputs(seed: int = 0) -> dict:
    key = jax.random.key(seed)
    k_x, k_w = jax.random.split(key)
    x = jax.random.randint(k_x, (16384, 50), 0, 39, dtype=jnp.int64)
    embed_weight = jax.random.normal(k_w, (39, 32), dtype=jnp.float32) * 0.1
    pe = _make_pe()
    return {"x": x, "embed_weight": embed_weight, "pe": pe}


def reference(x, embed_weight, pe):
    embed = jnp.take(embed_weight, x, axis=0)  # [B, 50, 32]
    embed = embed + pe  # broadcast [1, 50, 32]
    return embed

if __name__ == "__main__":
    import jax
    _d = setup_inputs()
    print(jax.jit(kernel)(*tuple(_d.values())))

</pallas_src>

<mosaic_0001>
#map = affine_map<(d0, d1) -> (0, 0)>
module attributes {stable_mosaic.version = 14 : i64} {
  func.func @body(%arg0: i32, %arg1: i32, %arg2: memref<1950x32xf32, #tpu.memory_space<hbm>>, %arg3: memref<25600x32xi32, #tpu.memory_space<hbm>>, %arg4: memref<819200x32xf32, #tpu.memory_space<hbm>>, %arg5: memref<1950x32xf32, #tpu.memory_space<vmem_shared>>, %arg6: memref<8x32xi32, #tpu.memory_space<vmem>>, %arg7: memref<8x32xi32, #tpu.memory_space<vmem>>, %arg8: memref<2x128xi32, #tpu.memory_space<vmem>>, %arg9: memref<2x128xi32, #tpu.memory_space<vmem>>, %arg10: memref<256x32xf32, #tpu.memory_space<vmem>>, %arg11: memref<256x32xf32, #tpu.memory_space<vmem>>, %arg12: memref<!tpu.dma_semaphore, #tpu.memory_space<semaphore_mem>>, %arg13: memref<!tpu.dma_semaphore, #tpu.memory_space<semaphore_mem>>, %arg14: memref<!tpu.dma_semaphore, #tpu.memory_space<semaphore_mem>>) attributes {dimension_semantics = [#tpu.dimension_semantics<core_parallel>, #tpu.dimension_semantics<subcore_parallel>], iteration_bounds = array<i64: 2, 16>, scalar_prefetch = 0 : i64, scratch_operands = 10 : i64, tpu.core_type = #tpu.core_type<sc_vector_subcore>, window_params = [{transform_indices = #map}, {transform_indices = #map}, {transform_indices = #map}]} {
    %eq3A = arith.constant 0 : i32
    %eq3A_0 = arith.cmpi eq, %arg1, %eq3A : i32
    %convert_element_type3A = arith.extui %eq3A_0 : i1 to i32
    %cond3A = arith.constant 0 : i32
    %cond3A_1 = arith.cmpi ne, %convert_element_type3A, %cond3A : i32
    scf.if %cond3A_1 {
      "tpu.region"() ({
        %run_scoped3A = tpu.sem_alloc : memref<!tpu.dma_semaphore, #tpu.memory_space<semaphore_mem>>
        tpu.enqueue_dma source(%arg2 : memref<1950x32xf32, #tpu.memory_space<hbm>>) target(%arg5 : memref<1950x32xf32, #tpu.memory_space<vmem_shared>>) target_semaphore(%run_scoped3A : memref<!tpu.dma_semaphore, #tpu.memory_space<semaphore_mem>>)
        tpu.wait_dma2 semaphore(%run_scoped3A : memref<!tpu.dma_semaphore, #tpu.memory_space<semaphore_mem>>) src(%arg2 : memref<1950x32xf32, #tpu.memory_space<hbm>>) dst(%arg5 : memref<1950x32xf32, #tpu.memory_space<vmem_shared>>)
        tpu.yield
      }) : () -> ()
    } else {
    }
    %barrier3A = arith.constant 0 : index
    tpu.barrier barrier_id(%barrier3A)
    %mul3A = arith.constant 2 : i32
    %mul3A_2 = arith.muli %arg1, %mul3A : i32
    %add3A = arith.addi %mul3A_2, %arg0 : i32
    %iota3A = tpu.iota {dimensions = array<i32: 0>} : vector<16xi32>
    %scan3A = arith.constant 0 : i32
    %scan3A_3 = arith.constant 50 : i32
    %scan3A_4 = arith.addi %scan3A, %scan3A_3 : i32
    %scan3A_5 = arith.constant 1 : i32
    scf.for %scan3A_18 = %scan3A to %scan3A_4 step %scan3A_5  : i32 {
      %mul3A_19 = arith.constant 1 : i32
      %mul3A_20 = arith.muli %scan3A_18, %mul3A_19 : i32
      %add3A_21 = arith.constant 0 : i32
      %add3A_22 = arith.addi %add3A_21, %mul3A_20 : i32
      %mul3A_23 = arith.constant 2 : i32
      %mul3A_24 = arith.muli %add3A_22, %mul3A_23 : i32
      %gt3A = arith.constant 0 : i32
      %gt3A_25 = arith.cmpi sgt, %add3A_22, %gt3A : i32
      %mul3A_26 = arith.constant 100 : i32
      %mul3A_27 = arith.muli %add3A, %mul3A_26 : i32
      %add3A_28 = arith.addi %mul3A_27, %mul3A_24 : i32
      %mul3A_29 = arith.constant 8 : i32
      %mul3A_30 = arith.muli %add3A_28, %mul3A_29 : i32
      %multiple_of3A = tpu.assume_multiple %mul3A_30, 8 : i32
      %mul3A_31 = arith.constant 256 : i32
      %mul3A_32 = arith.muli %add3A_28, %mul3A_31 : i32
      %multiple_of3A_33 = tpu.assume_multiple %mul3A_32, 8 : i32
      "tpu.region"() ({
        %run_scoped3A = tpu.sem_alloc : memref<!tpu.dma_semaphore, #tpu.memory_space<semaphore_mem>>
        %dma_start3A_843 = arith.constant 0 : i32
        %dma_start3A_844 = tpu.memref_slice %arg3[%multiple_of3A, %dma_start3A_843] : memref<25600x32xi32, #tpu.memory_space<hbm>> -> memref<8x32xi32, #tpu.memory_space<hbm>>
        %dma_start3A_845 = arith.constant 0 : i32
        %dma_start3A_846 = tpu.memref_slice %arg3[%multiple_of3A, %dma_start3A_845] : memref<25600x32xi32, #tpu.memory_space<hbm>> -> memref<8x32xi32, #tpu.memory_space<hbm>>
        tpu.enqueue_dma source(%dma_start3A_846 : memref<8x32xi32, #tpu.memory_space<hbm>>) target(%arg6 : memref<8x32xi32, #tpu.memory_space<vmem>>) target_semaphore(%run_scoped3A : memref<!tpu.dma_semaphore, #tpu.memory_space<semaphore_mem>>)
        %dma_wait3A_847 = arith.constant 0 : i32
        %dma_wait3A_848 = tpu.memref_slice %arg3[%multiple_of3A, %dma_wait3A_847] : memref<25600x32xi32, #tpu.memory_space<hbm>> -> memref<8x32xi32, #tpu.memory_space<hbm>>
        %dma_wait3A_849 = arith.constant 0 : i32
        %dma_wait3A_850 = tpu.memref_slice %arg3[%multiple_of3A, %dma_wait3A_849] : memref<25600x32xi32, #tpu.memory_space<hbm>> -> memref<8x32xi32, #tpu.memory_space<hbm>>
        tpu.wait_dma2 semaphore(%run_scoped3A : memref<!tpu.dma_semaphore, #tpu.memory_space<semaphore_mem>>) src(%dma_wait3A_850 : memref<8x32xi32, #tpu.memory_space<hbm>>) dst(%arg6 : memref<8x32xi32, #tpu.memory_space<vmem>>)
        tpu.yield
      }) : () -> ()
      %add3A_34 = arith.constant 0 : i32
      %add3A_35 = arith.addi %multiple_of3A_33, %add3A_34 : i32
      %add3A_36 = vector.broadcast %add3A_35 : i32 to vector<16xi32>
      %add3A_37 = arith.addi %add3A_36, %iota3A : vector<16xi32>
      %get3A = arith.constant 0 : i32
      %get3A_38 = arith.index_cast %get3A : i32 to index
      %get3A_39 = arith.constant 0 : index
      %get3A_40 = tpu.vector_load %arg6[%get3A_38, %get3A_39] {strides = array<i32>} : memref<8x32xi32, #tpu.memory_space<vmem>>, vector<1x16xi32>,
      %get3A_41 = vector.shape_cast %get3A_40 : vector<1x16xi32> to vector<16xi32>
      %rem3A = arith.constant 50 : i32
      %rem3A_42 = vector.broadcast %rem3A : i32 to vector<16xi32>
      %rem3A_43 = arith.remsi %add3A_37, %rem3A_42 : vector<16xi32>
      %mul3A_44 = arith.constant 39 : i32
      %mul3A_45 = vector.broadcast %mul3A_44 : i32 to vector<16xi32>
      %mul3A_46 = arith.muli %mul3A_45, %rem3A_43 : vector<16xi32>
      %add3A_47 = arith.addi %get3A_41, %mul3A_46 : vector<16xi32>
      %swap3A = arith.constant 0 : i32
      %swap3A_48 = arith.index_cast %swap3A : i32 to index
      %swap3A_49 = arith.constant 0 : index
      %swap3A_50 = tpu.vector_load %arg8[%swap3A_48, %swap3A_49] {strides = array<i32>} : memref<2x128xi32, #tpu.memory_space<vmem>>, vector<1x16xi32>,
      %swap3A_51 = vector.shape_cast %swap3A_50 : vector<1x16xi32> to vector<16xi32>
      %swap3A_52 = vector.shape_cast %add3A_47 : vector<16xi32> to vector<1x16xi32>
      tpu.vector_store %arg8[%swap3A_48, %swap3A_49], %swap3A_52 {strides = array<i32>} : memref<2x128xi32, #tpu.memory_space<vmem>>, vector<1x16xi32>,
      %add3A_53 = arith.constant 16 : i32
      %add3A_54 = arith.addi %multiple_of3A_33, %add3A_53 : i32
      %add3A_55 = vector.broadcast %add3A_54 : i32 to vector<16xi32>
      %add3A_56 = arith.addi %add3A_55, %iota3A : vector<16xi32>
      %get3A_57 = arith.constant 0 : i32
      %get3A_58 = arith.index_cast %get3A_57 : i32 to index
      %get3A_59 = arith.constant 16 : index
      %get3A_60 = tpu.vector_load %arg6[%get3A_58, %get3A_59] {strides = array<i32>} : memref<8x32xi32, #tpu.memory_space<vmem>>, vector<1x16xi32>,
      %get3A_61 = vector.shape_cast %get3A_60 : vector<1x16xi32> to vector<16xi32>
      %rem3A_62 = arith.constant 50 : i32
      %rem3A_63 = vector.broadcast %rem3A_62 : i32 to vector<16xi32>
      %rem3A_64 = arith.remsi %add3A_56, %rem3A_63 : vector<16xi32>
      %mul3A_65 = arith.constant 39 : i32
      %mul3A_66 = vector.broadcast %mul3A_65 : i32 to vector<16xi32>
      %mul3A_67 = arith.muli %mul3A_66, %rem3A_64 : vector<16xi32>
      %add3A_68 = arith.addi %get3A_61, %mul3A_67 : vector<16xi32>
      %swap3A_69 = arith.constant 0 : i32
      %swap3A_70 = arith.index_cast %swap3A_69 : i32 to index
      %swap3A_71 = arith.constant 16 : index
      %swap3A_72 = tpu.vector_load %arg8[%swap3A_70, %swap3A_71] {strides = array<i32>} : memref<2x128xi32, #tpu.memory_space<vmem>>, vector<1x16xi32>,
      %swap3A_73 = vector.shape_cast %swap3A_72 : vector<1x16xi32> to vector<16xi32>
      %swap3A_74 = vector.shape_cast %add3A_68 : vector<16xi32> to vector<1x16xi32>
      tpu.vector_store %arg8[%swap3A_70, %swap3A_71], %swap3A_74 {strides = array<i32>} : memref<2x128xi32, #tpu.memory_space<vmem>>, vector<1x16xi32>,
      %add3A_75 = arith.constant 32 : i32
      %add3A_76 = arith.addi %multiple_of3A_33, %add3A_75 : i32
      %add3A_77 = vector.broadcast %add3A_76 : i32 to vector<16xi32>
      %add3A_78 = arith.addi %add3A_77, %iota3A : vector<16xi32>
      %get3A_79 = arith.constant 1 : i32
      %get3A_80 = arith.index_cast %get3A_79 : i32 to index
      %get3A_81 = arith.constant 0 : index
      %get3A_82 = tpu.vector_load %arg6[%get3A_80, %get3A_81] {strides = array<i32>} : memref<8x32xi32, #tpu.memory_space<vmem>>, vector<1x16xi32>,
      %get3A_83 = vector.shape_cast %get3A_82 : vector<1x16xi32> to vector<16xi32>
      %rem3A_84 = arith.constant 50 : i32
      %rem3A_85 = vector.broadcast %rem3A_84 : i32 to vector<16xi32>
      %rem3A_86 = arith.remsi %add3A_78, %rem3A_85 : vector<16xi32>
      %mul3A_87 = arith.constant 39 : i32
      %mul3A_88 = vector.broadcast %mul3A_87 : i32 to vector<16xi32>
      %mul3A_89 = arith.muli %mul3A_88, %rem3A_86 : vector<16xi32>
      %add3A_90 = arith.addi %get3A_83, %mul3A_89 : vector<16xi32>
      %swap3A_91 = arith.constant 0 : i32
      %swap3A_92 = arith.index_cast %swap3A_91 : i32 to index
      %swap3A_93 = arith.constant 32 : index
      %swap3A_94 = tpu.vector_load %arg8[%swap3A_92, %swap3A_93] {strides = array<i32>} : memref<2x128xi32, #tpu.memory_space<vmem>>, vector<1x16xi32>,
      %swap3A_95 = vector.shape_cast %swap3A_94 : vector<1x16xi32> to vector<16xi32>
      %swap3A_96 = vector.shape_cast %add3A_90 : vector<16xi32> to vector<1x16xi32>
      tpu.vector_store %arg8[%swap3A_92, %swap3A_93], %swap3A_96 {strides = array<i32>} : memref<2x128xi32, #tpu.memory_space<vmem>>, vector<1x16xi32>,
      %add3A_97 = arith.constant 48 : i32
      %add3A_98 = arith.addi %multiple_of3A_33, %add3A_97 : i32
      %add3A_99 = vector.broadcast %add3A_98 : i32 to vector<16xi32>
      %add3A_100 = arith.addi %add3A_99, %iota3A : vector<16xi32>
      %get3A_101 = arith.constant 1 : i32
      %get3A_102 = arith.index_cast %get3A_101 : i32 to index
      %get3A_103 = arith.constant 16 : index
      %get3A_104 = tpu.vector_load %arg6[%get3A_102, %get3A_103] {strides = array<i32>} : memref<8x32xi32, #tpu.memory_space<vmem>>, vector<1x16xi32>,
      %get3A_105 = vector.shape_cast %get3A_104 : vector<1x16xi32> to vector<16xi32>
      %rem3A_106 = arith.constant 50 : i32
      %rem3A_107 = vector.broadcast %rem3A_106 : i32 to vector<16xi32>
      %rem3A_108 = arith.remsi %add3A_100, %rem3A_107 : vector<16xi32>
      %mul3A_109 = arith.constant 39 : i32
      %mul3A_110 = vector.broadcast %mul3A_109 : i32 to vector<16xi32>
      %mul3A_111 = arith.muli %mul3A_110, %rem3A_108 : vector<16xi32>
      %add3A_112 = arith.addi %get3A_105, %mul3A_111 : vector<16xi32>
      %swap3A_113 = arith.constant 0 : i32
      %swap3A_114 = arith.index_cast %swap3A_113 : i32 to index
      %swap3A_115 = arith.constant 48 : index
      %swap3A_116 = tpu.vector_load %arg8[%swap3A_114, %swap3A_115] {strides = array<i32>} : memref<2x128xi32, #tpu.memory_space<vmem>>, vector<1x16xi32>,
      %swap3A_117 = vector.shape_cast %swap3A_116 : vector<1x16xi32> to vector<16xi32>
      %swap3A_118 = vector.shape_cast %add3A_112 : vector<16xi32> to vector<1x16xi32>
      tpu.vector_store %arg8[%swap3A_114, %swap3A_115], %swap3A_118 {strides = array<i32>} : memref<2x128xi32, #tpu.memory_space<vmem>>, vector<1x16xi32>,
      %add3A_119 = arith.constant 64 : i32
      %add3A_120 = arith.addi %multiple_of3A_33, %add3A_119 : i32
      %add3A_121 = vector.broadcast %add3A_120 : i32 to vector<16xi32>
      %add3A_122 = arith.addi %add3A_121, %iota3A : vector<16xi32>
      %get3A_123 = arith.constant 2 : i32
      %get3A_124 = arith.index_cast %get3A_123 : i32 to index
      %get3A_125 = arith.constant 0 : index
      %get3A_126 = tpu.vector_load %arg6[%get3A_124, %get3A_125] {strides = array<i32>} : memref<8x32xi32, #tpu.memory_space<vmem>>, vector<1x16xi32>,
      %get3A_127 = vector.shape_cast %get3A_126 : vector<1x16xi32> to vector<16xi32>
      %rem3A_128 = arith.constant 50 : i32
      %rem3A_129 = vector.broadcast %rem3A_128 : i32 to vector<16xi32>
      %rem3A_130 = arith.remsi %add3A_122, %rem3A_129 : vector<16xi32>
      %mul3A_131 = arith.constant 39 : i32
      %mul3A_132 = vector.broadcast %mul3A_131 : i32 to vector<16xi32>
      %mul3A_133 = arith.muli %mul3A_132, %rem3A_130 : vector<16xi32>
      %add3A_134 = arith.addi %get3A_127, %mul3A_133 : vector<16xi32>
      %swap3A_135 = arith.constant 0 : i32
      %swap3A_136 = arith.index_cast %swap3A_135 : i32 to index
      %swap3A_137 = arith.constant 64 : index
      %swap3A_138 = tpu.vector_load %arg8[%swap3A_136, %swap3A_137] {strides = array<i32>} : memref<2x128xi32, #tpu.memory_space<vmem>>, vector<1x16xi32>,
      %swap3A_139 = vector.shape_cast %swap3A_138 : vector<1x16xi32> to vector<16xi32>
      %swap3A_140 = vector.shape_cast %add3A_134 : vector<16xi32> to vector<1x16xi32>
      tpu.vector_store %arg8[%swap3A_136, %swap3A_137], %swap3A_140 {strides = array<i32>} : memref<2x128xi32, #tpu.memory_space<vmem>>, vector<1x16xi32>,
      %add3A_141 = arith.constant 80 : i32
      %add3A_142 = arith.addi %multiple_of3A_33, %add3A_141 : i32
      %add3A_143 = vector.broadcast %add3A_142 : i32 to vector<16xi32>
      %add3A_144 = arith.addi %add3A_143, %iota3A : vector<16xi32>
      %get3A_145 = arith.constant 2 : i32
      %get3A_146 = arith.index_cast %get3A_145 : i32 to index
      %get3A_147 = arith.constant 16 : index
      %get3A_148 = tpu.vector_load %arg6[%get3A_146, %get3A_147] {strides = array<i32>} : memref<8x32xi32, #tpu.memory_space<vmem>>, vector<1x16xi32>,
      %get3A_149 = vector.shape_cast %get3A_148 : vector<1x16xi32> to vector<16xi32>
      %rem3A_150 = arith.constant 50 : i32
      %rem3A_151 = vector.broadcast %rem3A_150 : i32 to vector<16xi32>
      %rem3A_152 = arith.remsi %add3A_144, %rem3A_151 : vector<16xi32>
      %mul3A_153 = arith.constant 39 : i32
      %mul3A_154 = vector.broadcast %mul3A_153 : i32 to vector<16xi32>
      %mul3A_155 = arith.muli %mul3A_154, %rem3A_152 : vector<16xi32>
      %add3A_156 = arith.addi %get3A_149, %mul3A_155 : vector<16xi32>
      %swap3A_157 = arith.constant 0 : i32
      %swap3A_158 = arith.index_cast %swap3A_157 : i32 to index
      %swap3A_159 = arith.constant 80 : index
      %swap3A_160 = tpu.vector_load %arg8[%swap3A_158, %swap3A_159] {strides = array<i32>} : memref<2x128xi32, #tpu.memory_space<vmem>>, vector<1x16xi32>,
      %swap3A_161 = vector.shape_cast %swap3A_160 : vector<1x16xi32> to vector<16xi32>
      %swap3A_162 = vector.shape_cast %add3A_156 : vector<16xi32> to vector<1x16xi32>
      tpu.vector_store %arg8[%swap3A_158, %swap3A_159], %swap3A_162 {strides = array<i32>} : memref<2x128xi32, #tpu.memory_space<vmem>>, vector<1x16xi32>,
      %add3A_163 = arith.constant 96 : i32
      %add3A_164 = arith.addi %multiple_of3A_33, %add3A_163 : i32
      %add3A_165 = vector.broadcast %add3A_164 : i32 to vector<16xi32>
      %add3A_166 = arith.addi %add3A_165, %iota3A : vector<16xi32>
      %get3A_167 = arith.constant 3 : i32
      %get3A_168 = arith.index_cast %get3A_167 : i32 to index
      %get3A_169 = arith.constant 0 : index
      %get3A_170 = tpu.vector_load %arg6[%get3A_168, %get3A_169] {strides = array<i32>} : memref<8x32xi32, #tpu.memory_space<vmem>>, vector<1x16xi32>,
      %get3A_171 = vector.shape_cast %get3A_170 : vector<1x16xi32> to vector<16xi32>
      %rem3A_172 = arith.constant 50 : i32
      %rem3A_173 = vector.broadcast %rem3A_172 : i32 to vector<16xi32>
      %rem3A_174 = arith.remsi %add3A_166, %rem3A_173 : vector<16xi32>
      %mul3A_175 = arith.constant 39 : i32
      %mul3A_176 = vector.broadcast %mul3A_175 : i32 to vector<16xi32>
      %mul3A_177 = arith.muli %mul3A_176, %rem3A_174 : vector<16xi32>
      %add3A_178 = arith.addi %get3A_171, %mul3A_177 : vector<16xi32>
      %swap3A_179 = arith.constant 0 : i32
      %swap3A_180 = arith.index_cast %swap3A_179 : i32 to index
      %swap3A_181 = arith.constant 96 : index
      %swap3A_182 = tpu.vector_load %arg8[%swap3A_180, %swap3A_181] {strides = array<i32>} : memref<2x128xi32, #tpu.memory_space<vmem>>, vector<1x16xi32>,
      %swap3A_183 = vector.shape_cast %swap3A_182 : vector<1x16xi32> to vector<16xi32>
      %swap3A_184 = vector.shape_cast %add3A_178 : vector<16xi32> to vector<1x16xi32>
      tpu.vector_store %arg8[%swap3A_180, %swap3A_181], %swap3A_184 {strides = array<i32>} : memref<2x128xi32, #tpu.memory_space<vmem>>, vector<1x16xi32>,
      %add3A_185 = arith.constant 112 : i32
      %add3A_186 = arith.addi %multiple_of3A_33, %add3A_185 : i32
      %add3A_187 = vector.broadcast %add3A_186 : i32 to vector<16xi32>
      %add3A_188 = arith.addi %add3A_187, %iota3A : vector<16xi32>
      %get3A_189 = arith.constant 3 : i32
      %get3A_190 = arith.index_cast %get3A_189 : i32 to index
      %get3A_191 = arith.constant 16 : index
      %get3A_192 = tpu.vector_load %arg6[%get3A_190, %get3A_191] {strides = array<i32>} : memref<8x32xi32, #tpu.memory_space<vmem>>, vector<1x16xi32>,
      %get3A_193 = vector.shape_cast %get3A_192 : vector<1x16xi32> to vector<16xi32>
      %rem3A_194 = arith.constant 50 : i32
      %rem3A_195 = vector.broadcast %rem3A_194 : i32 to vector<16xi32>
      %rem3A_196 = arith.remsi %add3A_188, %rem3A_195 : vector<16xi32>
      %mul3A_197 = arith.constant 39 : i32
      %mul3A_198 = vector.broadcast %mul3A_197 : i32 to vector<16xi32>
      %mul3A_199 = arith.muli %mul3A_198, %rem3A_196 : vector<16xi32>
      %add3A_200 = arith.addi %get3A_193, %mul3A_199 : vector<16xi32>
      %swap3A_201 = arith.constant 0 : i32
      %swap3A_202 = arith.index_cast %swap3A_201 : i32 to index
      %swap3A_203 = arith.constant 112 : index
      %swap3A_204 = tpu.vector_load %arg8[%swap3A_202, %swap3A_203] {strides = array<i32>} : memref<2x128xi32, #tpu.memory_space<vmem>>, vector<1x16xi32>,
      %swap3A_205 = vector.shape_cast %swap3A_204 : vector<1x16xi32> to vector<16xi32>
      %swap3A_206 = vector.shape_cast %add3A_200 : vector<16xi32> to vector<1x16xi32>
      tpu.vector_store %arg8[%swap3A_202, %swap3A_203], %swap3A_206 {strides = array<i32>} : memref<2x128xi32, #tpu.memory_space<vmem>>, vector<1x16xi32>,
      %add3A_207 = arith.constant 128 : i32
      %add3A_208 = arith.addi %multiple_of3A_33, %add3A_207 : i32
      %add3A_209 = vector.broadcast %add3A_208 : i32 to vector<16xi32>
      %add3A_210 = arith.addi %add3A_209, %iota3A : vector<16xi32>
      %get3A_211 = arith.constant 4 : i32
      %get3A_212 = arith.index_cast %get3A_211 : i32 to index
      %get3A_213 = arith.constant 0 : index
      %get3A_214 = tpu.vector_load %arg6[%get3A_212, %get3A_213] {strides = array<i32>} : memref<8x32xi32, #tpu.memory_space<vmem>>, vector<1x16xi32>,
      %get3A_215 = vector.shape_cast %get3A_214 : vector<1x16xi32> to vector<16xi32>
      %rem3A_216 = arith.constant 50 : i32
      %rem3A_217 = vector.broadcast %rem3A_216 : i32 to vector<16xi32>
      %rem3A_218 = arith.remsi %add3A_210, %rem3A_217 : vector<16xi32>
      %mul3A_219 = arith.constant 39 : i32
      %mul3A_220 = vector.broadcast %mul3A_219 : i32 to vector<16xi32>
      %mul3A_221 = arith.muli %mul3A_220, %rem3A_218 : vector<16xi32>
      %add3A_222 = arith.addi %get3A_215, %mul3A_221 : vector<16xi32>
      %swap3A_223 = arith.constant 1 : i32
      %swap3A_224 = arith.index_cast %swap3A_223 : i32 to index
      %swap3A_225 = arith.constant 0 : index
      %swap3A_226 = tpu.vector_load %arg8[%swap3A_224, %swap3A_225] {strides = array<i32>} : memref<2x128xi32, #tpu.memory_space<vmem>>, vector<1x16xi32>,
      %swap3A_227 = vector.shape_cast %swap3A_226 : vector<1x16xi32> to vector<16xi32>
      %swap3A_228 = vector.shape_cast %add3A_222 : vector<16xi32> to vector<1x16xi32>
      tpu.vector_store %arg8[%swap3A_224, %swap3A_225], %swap3A_228 {strides = array<i32>} : memref<2x128xi32, #tpu.memory_space<vmem>>, vector<1x16xi32>,
      %add3A_229 = arith.constant 144 : i32
      %add3A_230 = arith.addi %multiple_of3A_33, %add3A_229 : i32
      %add3A_231 = vector.broadcast %add3A_230 : i32 to vector<16xi32>
      %add3A_232 = arith.addi %add3A_231, %iota3A : vector<16xi32>
      %get3A_233 = arith.constant 4 : i32
      %get3A_234 = arith.index_cast %get3A_233 : i32 to index
      %get3A_235 = arith.constant 16 : index
      %get3A_236 = tpu.vector_load %arg6[%get3A_234, %get3A_235] {strides = array<i32>} : memref<8x32xi32, #tpu.memory_space<vmem>>, vector<1x16xi32>,
      %get3A_237 = vector.shape_cast %get3A_236 : vector<1x16xi32> to vector<16xi32>
      %rem3A_238 = arith.constant 50 : i32
      %rem3A_239 = vector.broadcast %rem3A_238 : i32 to vector<16xi32>
      %rem3A_240 = arith.remsi %add3A_232, %rem3A_239 : vector<16xi32>
      %mul3A_241 = arith.constant 39 : i32
      %mul3A_242 = vector.broadcast %mul3A_241 : i32 to vector<16xi32>
      %mul3A_243 = arith.muli %mul3A_242, %rem3A_240 : vector<16xi32>
      %add3A_244 = arith.addi %get3A_237, %mul3A_243 : vector<16xi32>
      %swap3A_245 = arith.constant 1 : i32
      %swap3A_246 = arith.index_cast %swap3A_245 : i32 to index
      %swap3A_247 = arith.constant 16 : index
      %swap3A_248 = tpu.vector_load %arg8[%swap3A_246, %swap3A_247] {strides = array<i32>} : memref<2x128xi32, #tpu.memory_space<vmem>>, vector<1x16xi32>,
      %swap3A_249 = vector.shape_cast %swap3A_248 : vector<1x16xi32> to vector<16xi32>
      %swap3A_250 = vector.shape_cast %add3A_244 : vector<16xi32> to vector<1x16xi32>
      tpu.vector_store %arg8[%swap3A_246, %swap3A_247], %swap3A_250 {strides = array<i32>} : memref<2x128xi32, #tpu.memory_space<vmem>>, vector<1x16xi32>,
      %add3A_251 = arith.constant 160 : i32
      %add3A_252 = arith.addi %multiple_of3A_33, %add3A_251 : i32
      %add3A_253 = vector.broadcast %add3A_252 : i32 to vector<16xi32>
      %add3A_254 = arith.addi %add3A_253, %iota3A : vector<16xi32>
      %get3A_255 = arith.constant 5 : i32
      %get3A_256 = arith.index_cast %get3A_255 : i32 to index
      %get3A_257 = arith.constant 0 : index
      %get3A_258 = tpu.vector_load %arg6[%get3A_256, %get3A_257] {strides = array<i32>} : memref<8x32xi32, #tpu.memory_space<vmem>>, vector<1x16xi32>,
      %get3A_259 = vector.shape_cast %get3A_258 : vector<1x16xi32> to vector<16xi32>
      %rem3A_260 = arith.constant 50 : i32
      %rem3A_261 = vector.broadcast %rem3A_260 : i32 to vector<16xi32>
      %rem3A_262 = arith.remsi %add3A_254, %rem3A_261 : vector<16xi32>
      %mul3A_263 = arith.constant 39 : i32
      %mul3A_264 = vector.broadcast %mul3A_263 : i32 to vector<16xi32>
      %mul3A_265 = arith.muli %mul3A_264, %rem3A_262 : vector<16xi32>
      %add3A_266 = arith.addi %get3A_259, %mul3A_265 : vector<16xi32>
      %swap3A_267 = arith.constant 1 : i32
      %swap3A_268 = arith.index_cast %swap3A_267 : i32 to index
      %swap3A_269 = arith.constant 32 : index
      %swap3A_270 = tpu.vector_load %arg8[%swap3A_268, %swap3A_269] {strides = array<i32>} : memref<2x128xi32, #tpu.memory_space<vmem>>, vector<1x16xi32>,
      %swap3A_271 = vector.shape_cast %swap3A_270 : vector<1x16xi32> to vector<16xi32>
      %swap3A_272 = vector.shape_cast %add3A_266 : vector<16xi32> to vector<1x16xi32>
      tpu.vector_store %arg8[%swap3A_268, %swap3A_269], %swap3A_272 {strides = array<i32>} : memref<2x128xi32, #tpu.memory_space<vmem>>, vector<1x16xi32>,
      %add3A_273 = arith.constant 176 : i32
      %add3A_274 = arith.addi %multiple_of3A_33, %add3A_273 : i32
      %add3A_275 = vector.broadcast %add3A_274 : i32 to vector<16xi32>
      %add3A_276 = arith.addi %add3A_275, %iota3A : vector<16xi32>
      %get3A_277 = arith.constant 5 : i32
      %get3A_278 = arith.index_cast %get3A_277 : i32 to index
      %get3A_279 = arith.constant 16 : index
      %get3A_280 = tpu.vector_load %arg6[%get3A_278, %get3A_279] {strides = array<i32>} : memref<8x32xi32, #tpu.memory_space<vmem>>, vector<1x16xi32>,
      %get3A_281 = vector.shape_cast %get3A_280 : vector<1x16xi32> to vector<16xi32>
      %rem3A_282 = arith.constant 50 : i32
      %rem3A_283 = vector.broadcast %rem3A_282 : i32 to vector<16xi32>
      %rem3A_284 = arith.remsi %add3A_276, %rem3A_283 : vector<16xi32>
      %mul3A_285 = arith.constant 39 : i32
      %mul3A_286 = vector.broadcast %mul3A_285 : i32 to vector<16xi32>
      %mul3A_287 = arith.muli %mul3A_286, %rem3A_284 : vector<16xi32>
      %add3A_288 = arith.addi %get3A_281, %mul3A_287 : vector<16xi32>
      %swap3A_289 = arith.constant 1 : i32
      %swap3A_290 = arith.index_cast %swap3A_289 : i32 to index
      %swap3A_291 = arith.constant 48 : index
      %swap3A_292 = tpu.vector_load %arg8[%swap3A_290, %swap3A_291] {strides = array<i32>} : memref<2x128xi32, #tpu.memory_space<vmem>>, vector<1x16xi32>,
      %swap3A_293 = vector.shape_cast %swap3A_292 : vector<1x16xi32> to vector<16xi32>
      %swap3A_294 = vector.shape_cast %add3A_288 : vector<16xi32> to vector<1x16xi32>
      tpu.vector_store %arg8[%swap3A_290, %swap3A_291], %swap3A_294 {strides = array<i32>} : memref<2x128xi32, #tpu.memory_space<vmem>>, vector<1x16xi32>,
      %add3A_295 = arith.constant 192 : i32
      %add3A_296 = arith.addi %multiple_of3A_33, %add3A_295 : i32
      %add3A_297 = vector.broadcast %add3A_296 : i32 to vector<16xi32>
      %add3A_298 = arith.addi %add3A_297, %iota3A : vector<16xi32>
      %get3A_299 = arith.constant 6 : i32
      %get3A_300 = arith.index_cast %get3A_299 : i32 to index
      %get3A_301 = arith.constant 0 : index
      %get3A_302 = tpu.vector_load %arg6[%get3A_300, %get3A_301] {strides = array<i32>} : memref<8x32xi32, #tpu.memory_space<vmem>>, vector<1x16xi32>,
      %get3A_303 = vector.shape_cast %get3A_302 : vector<1x16xi32> to vector<16xi32>
      %rem3A_304 = arith.constant 50 : i32
      %rem3A_305 = vector.broadcast %rem3A_304 : i32 to vector<16xi32>
      %rem3A_306 = arith.remsi %add3A_298, %rem3A_305 : vector<16xi32>
      %mul3A_307 = arith.constant 39 : i32
      %mul3A_308 = vector.broadcast %mul3A_307 : i32 to vector<16xi32>
      %mul3A_309 = arith.muli %mul3A_308, %rem3A_306 : vector<16xi32>
      %add3A_310 = arith.addi %get3A_303, %mul3A_309 : vector<16xi32>
      %swap3A_311 = arith.constant 1 : i32
      %swap3A_312 = arith.index_cast %swap3A_311 : i32 to index
      %swap3A_313 = arith.constant 64 : index
      %swap3A_314 = tpu.vector_load %arg8[%swap3A_312, %swap3A_313] {strides = array<i32>} : memref<2x128xi32, #tpu.memory_space<vmem>>, vector<1x16xi32>,
      %swap3A_315 = vector.shape_cast %swap3A_314 : vector<1x16xi32> to vector<16xi32>
      %swap3A_316 = vector.shape_cast %add3A_310 : vector<16xi32> to vector<1x16xi32>
      tpu.vector_store %arg8[%swap3A_312, %swap3A_313], %swap3A_316 {strides = array<i32>} : memref<2x128xi32, #tpu.memory_space<vmem>>, vector<1x16xi32>,
      %add3A_317 = arith.constant 208 : i32
      %add3A_318 = arith.addi %multiple_of3A_33, %add3A_317 : i32
      %add3A_319 = vector.broadcast %add3A_318 : i32 to vector<16xi32>
      %add3A_320 = arith.addi %add3A_319, %iota3A : vector<16xi32>
      %get3A_321 = arith.constant 6 : i32
      %get3A_322 = arith.index_cast %get3A_321 : i32 to index
      %get3A_323 = arith.constant 16 : index
      %get3A_324 = tpu.vector_load %arg6[%get3A_322, %get3A_323] {strides = array<i32>} : memref<8x32xi32, #tpu.memory_space<vmem>>, vector<1x16xi32>,
      %get3A_325 = vector.shape_cast %get3A_324 : vector<1x16xi32> to vector<16xi32>
      %rem3A_326 = arith.constant 50 : i32
      %rem3A_327 = vector.broadcast %rem3A_326 : i32 to vector<16xi32>
      %rem3A_328 = arith.remsi %add3A_320, %rem3A_327 : vector<16xi32>
      %mul3A_329 = arith.constant 39 : i32
      %mul3A_330 = vector.broadcast %mul3A_329 : i32 to vector<16xi32>
      %mul3A_331 = arith.muli %mul3A_330, %rem3A_328 : vector<16xi32>
      %add3A_332 = arith.addi %get3A_325, %mul3A_331 : vector<16xi32>
      %swap3A_333 = arith.constant 1 : i32
      %swap3A_334 = arith.index_cast %swap3A_333 : i32 to index
      %swap3A_335 = arith.constant 80 : index
      %swap3A_336 = tpu.vector_load %arg8[%swap3A_334, %swap3A_335] {strides = array<i32>} : memref<2x128xi32, #tpu.memory_space<vmem>>, vector<1x16xi32>,
      %swap3A_337 = vector.shape_cast %swap3A_336 : vector<1x16xi32> to vector<16xi32>
      %swap3A_338 = vector.shape_cast %add3A_332 : vector<16xi32> to vector<1x16xi32>
      tpu.vector_store %arg8[%swap3A_334, %swap3A_335], %swap3A_338 {strides = array<i32>} : memref<2x128xi32, #tpu.memory_space<vmem>>, vector<1x16xi32>,
      %add3A_339 = arith.constant 224 : i32
      %add3A_340 = arith.addi %multiple_of3A_33, %add3A_339 : i32
      %add3A_341 = vector.broadcast %add3A_340 : i32 to vector<16xi32>
      %add3A_342 = arith.addi %add3A_341, %iota3A : vector<16xi32>
      %get3A_343 = arith.constant 7 : i32
      %get3A_344 = arith.index_cast %get3A_343 : i32 to index
      %get3A_345 = arith.constant 0 : index
      %get3A_346 = tpu.vector_load %arg6[%get3A_344, %get3A_345] {strides = array<i32>} : memref<8x32xi32, #tpu.memory_space<vmem>>, vector<1x16xi32>,
      %get3A_347 = vector.shape_cast %get3A_346 : vector<1x16xi32> to vector<16xi32>
      %rem3A_348 = arith.constant 50 : i32
      %rem3A_349 = vector.broadcast %rem3A_348 : i32 to vector<16xi32>
      %rem3A_350 = arith.remsi %add3A_342, %rem3A_349 : vector<16xi32>
      %mul3A_351 = arith.constant 39 : i32
      %mul3A_352 = vector.broadcast %mul3A_351 : i32 to vector<16xi32>
      %mul3A_353 = arith.muli %mul3A_352, %rem3A_350 : vector<16xi32>
      %add3A_354 = arith.addi %get3A_347, %mul3A_353 : vector<16xi32>
      %swap3A_355 = arith.constant 1 : i32
      %swap3A_356 = arith.index_cast %swap3A_355 : i32 to index
      %swap3A_357 = arith.constant 96 : index
      %swap3A_358 = tpu.vector_load %arg8[%swap3A_356, %swap3A_357] {strides = array<i32>} : memref<2x128xi32, #tpu.memory_space<vmem>>, vector<1x16xi32>,
      %swap3A_359 = vector.shape_cast %swap3A_358 : vector<1x16xi32> to vector<16xi32>
      %swap3A_360 = vector.shape_cast %add3A_354 : vector<16xi32> to vector<1x16xi32>
      tpu.vector_store %arg8[%swap3A_356, %swap3A_357], %swap3A_360 {strides = array<i32>} : memref<2x128xi32, #tpu.memory_space<vmem>>, vector<1x16xi32>,
      %add3A_361 = arith.constant 240 : i32
      %add3A_362 = arith.addi %multiple_of3A_33, %add3A_361 : i32
      %add3A_363 = vector.broadcast %add3A_362 : i32 to vector<16xi32>
      %add3A_364 = arith.addi %add3A_363, %iota3A : vector<16xi32>
      %get3A_365 = arith.constant 7 : i32
      %get3A_366 = arith.index_cast %get3A_365 : i32 to index
      %get3A_367 = arith.constant 16 : index
      %get3A_368 = tpu.vector_load %arg6[%get3A_366, %get3A_367] {strides = array<i32>} : memref<8x32xi32, #tpu.memory_space<vmem>>, vector<1x16xi32>,
      %get3A_369 = vector.shape_cast %get3A_368 : vector<1x16xi32> to vector<16xi32>
      %rem3A_370 = arith.constant 50 : i32
      %rem3A_371 = vector.broadcast %rem3A_370 : i32 to vector<16xi32>
      %rem3A_372 = arith.remsi %add3A_364, %rem3A_371 : vector<16xi32>
      %mul3A_373 = arith.constant 39 : i32
      %mul3A_374 = vector.broadcast %mul3A_373 : i32 to vector<16xi32>
      %mul3A_375 = arith.muli %mul3A_374, %rem3A_372 : vector<16xi32>
      %add3A_376 = arith.addi %get3A_369, %mul3A_375 : vector<16xi32>
      %swap3A_377 = arith.constant 1 : i32
      %swap3A_378 = arith.index_cast %swap3A_377 : i32 to index
      %swap3A_379 = arith.constant 112 : index
      %swap3A_380 = tpu.vector_load %arg8[%swap3A_378, %swap3A_379] {strides = array<i32>} : memref<2x128xi32, #tpu.memory_space<vmem>>, vector<1x16xi32>,
      %swap3A_381 = vector.shape_cast %swap3A_380 : vector<1x16xi32> to vector<16xi32>
      %swap3A_382 = vector.shape_cast %add3A_376 : vector<16xi32> to vector<1x16xi32>
      tpu.vector_store %arg8[%swap3A_378, %swap3A_379], %swap3A_382 {strides = array<i32>} : memref<2x128xi32, #tpu.memory_space<vmem>>, vector<1x16xi32>,
      %convert_element_type3A_383 = arith.extui %gt3A_25 : i1 to i32
      %cond3A_384 = arith.constant 0 : i32
      %cond3A_385 = arith.cmpi ne, %convert_element_type3A_383, %cond3A_384 : i32
      scf.if %cond3A_385 {
        %dma_wait3A_843 = arith.constant 0 : i32
        %dma_wait3A_844 = arith.constant 0 : i32
        %dma_wait3A_845 = tpu.memref_slice %arg4[%dma_wait3A_843, %dma_wait3A_844] : memref<819200x32xf32, #tpu.memory_space<hbm>> -> memref<256x32xf32, #tpu.memory_space<hbm>>
        %dma_wait3A_846 = arith.constant 0 : i32
        %dma_wait3A_847 = arith.constant 0 : i32
        %dma_wait3A_848 = tpu.memref_slice %arg4[%dma_wait3A_846, %dma_wait3A_847] : memref<819200x32xf32, #tpu.memory_space<hbm>> -> memref<256x32xf32, #tpu.memory_space<hbm>>
        tpu.wait_dma2 semaphore(%arg13 : memref<!tpu.dma_semaphore, #tpu.memory_space<semaphore_mem>>) src(%arg10 : memref<256x32xf32, #tpu.memory_space<vmem>>) dst(%dma_wait3A_848 : memref<256x32xf32, #tpu.memory_space<hbm>>)
      } else {
      }
      %dma_start3A = arith.constant 0 : i32
      %dma_start3A_386 = arith.constant 0 : i32
      %dma_start3A_387 = arith.constant 0 : i32
      %dma_start3A_388 = tpu.memref_slice %arg10[%dma_start3A_386, %dma_start3A_387] : memref<256x32xf32, #tpu.memory_space<vmem>> -> memref<128x32xf32, #tpu.memory_space<vmem>>
      %dma_start3A_389 = arith.constant 0 : i32
      %dma_start3A_390 = tpu.memref_slice %arg8[%dma_start3A, %dma_start3A_389] : memref<2x128xi32, #tpu.memory_space<vmem>> -> memref<1x128xi32, #tpu.memory_space<vmem>>
      %dma_start3A_391 = tpu.memref_squeeze %dma_start3A_390 : memref<1x128xi32, #tpu.memory_space<vmem>> -> memref<128xi32, #tpu.memory_space<vmem>>
      %dma_start3A_392 = arith.constant 0 : i32
      %dma_start3A_393 = arith.constant 0 : i32
      %dma_start3A_394 = tpu.memref_slice %arg5[%dma_start3A_392, %dma_start3A_393] : memref<1950x32xf32, #tpu.memory_space<vmem_shared>> -> memref<1950x32xf32, #tpu.memory_space<vmem_shared>>
      tpu.enqueue_indirect_dma source(%dma_start3A_394 : memref<1950x32xf32, #tpu.memory_space<vmem_shared>>) target(%dma_start3A_388 : memref<128x32xf32, #tpu.memory_space<vmem>>) offsets(%dma_start3A_391 : memref<128xi32, #tpu.memory_space<vmem>>) semaphore(%arg12 : memref<!tpu.dma_semaphore, #tpu.memory_space<semaphore_mem>>)
      %dma_start3A_395 = arith.constant 1 : i32
      %dma_start3A_396 = arith.constant 128 : i32
      %dma_start3A_397 = arith.constant 0 : i32
      %dma_start3A_398 = tpu.memref_slice %arg10[%dma_start3A_396, %dma_start3A_397] : memref<256x32xf32, #tpu.memory_space<vmem>> -> memref<128x32xf32, #tpu.memory_space<vmem>>
      %dma_start3A_399 = arith.constant 0 : i32
      %dma_start3A_400 = tpu.memref_slice %arg8[%dma_start3A_395, %dma_start3A_399] : memref<2x128xi32, #tpu.memory_space<vmem>> -> memref<1x128xi32, #tpu.memory_space<vmem>>
      %dma_start3A_401 = tpu.memref_squeeze %dma_start3A_400 : memref<1x128xi32, #tpu.memory_space<vmem>> -> memref<128xi32, #tpu.memory_space<vmem>>
      %dma_start3A_402 = arith.constant 0 : i32
      %dma_start3A_403 = arith.constant 0 : i32
      %dma_start3A_404 = tpu.memref_slice %arg5[%dma_start3A_402, %dma_start3A_403] : memref<1950x32xf32, #tpu.memory_space<vmem_shared>> -> memref<1950x32xf32, #tpu.memory_space<vmem_shared>>
      tpu.enqueue_indirect_dma source(%dma_start3A_404 : memref<1950x32xf32, #tpu.memory_space<vmem_shared>>) target(%dma_start3A_398 : memref<128x32xf32, #tpu.memory_space<vmem>>) offsets(%dma_start3A_401 : memref<128xi32, #tpu.memory_space<vmem>>) semaphore(%arg12 : memref<!tpu.dma_semaphore, #tpu.memory_space<semaphore_mem>>)
      %dma_wait3A_405 = arith.constant 0 : i32
      %dma_wait3A_406 = arith.constant 0 : i32
      %dma_wait3A_407 = arith.constant 0 : i32
      %dma_wait3A_408 = tpu.memref_slice %arg10[%dma_wait3A_406, %dma_wait3A_407] : memref<256x32xf32, #tpu.memory_space<vmem>> -> memref<128x32xf32, #tpu.memory_space<vmem>>
      %dma_wait3A_409 = arith.constant 0 : i32
      %dma_wait3A_410 = tpu.memref_slice %arg8[%dma_wait3A_405, %dma_wait3A_409] : memref<2x128xi32, #tpu.memory_space<vmem>> -> memref<1x128xi32, #tpu.memory_space<vmem>>
      %dma_wait3A_411 = tpu.memref_squeeze %dma_wait3A_410 : memref<1x128xi32, #tpu.memory_space<vmem>> -> memref<128xi32, #tpu.memory_space<vmem>>
      %dma_wait3A_412 = arith.constant 0 : i32
      %dma_wait3A_413 = arith.constant 0 : i32
      %dma_wait3A_414 = tpu.memref_slice %arg5[%dma_wait3A_412, %dma_wait3A_413] : memref<1950x32xf32, #tpu.memory_space<vmem_shared>> -> memref<1950x32xf32, #tpu.memory_space<vmem_shared>>
      tpu.wait_indirect_dma semaphore(%arg12 : memref<!tpu.dma_semaphore, #tpu.memory_space<semaphore_mem>>) src(%dma_wait3A_414 : memref<1950x32xf32, #tpu.memory_space<vmem_shared>>) dst(%dma_wait3A_408 : memref<128x32xf32, #tpu.memory_space<vmem>>)
      %dma_wait3A_415 = arith.constant 1 : i32
      %dma_wait3A_416 = arith.constant 128 : i32
      %dma_wait3A_417 = arith.constant 0 : i32
      %dma_wait3A_418 = tpu.memref_slice %arg10[%dma_wait3A_416, %dma_wait3A_417] : memref<256x32xf32, #tpu.memory_space<vmem>> -> memref<128x32xf32, #tpu.memory_space<vmem>>
      %dma_wait3A_419 = arith.constant 0 : i32
      %dma_wait3A_420 = tpu.memref_slice %arg8[%dma_wait3A_415, %dma_wait3A_419] : memref<2x128xi32, #tpu.memory_space<vmem>> -> memref<1x128xi32, #tpu.memory_space<vmem>>
      %dma_wait3A_421 = tpu.memref_squeeze %dma_wait3A_420 : memref<1x128xi32, #tpu.memory_space<vmem>> -> memref<128xi32, #tpu.memory_space<vmem>>
      %dma_wait3A_422 = arith.constant 0 : i32
      %dma_wait3A_423 = arith.constant 0 : i32
      %dma_wait3A_424 = tpu.memref_slice %arg5[%dma_wait3A_422, %dma_wait3A_423] : memref<1950x32xf32, #tpu.memory_space<vmem_shared>> -> memref<1950x32xf32, #tpu.memory_space<vmem_shared>>
      tpu.wait_indirect_dma semaphore(%arg12 : memref<!tpu.dma_semaphore, #tpu.memory_space<semaphore_mem>>) src(%dma_wait3A_424 : memref<1950x32xf32, #tpu.memory_space<vmem_shared>>) dst(%dma_wait3A_418 : memref<128x32xf32, #tpu.memory_space<vmem>>)
      %dma_start3A_425 = arith.constant 0 : i32
      %dma_start3A_426 = tpu.memref_slice %arg4[%multiple_of3A_33, %dma_start3A_425] : memref<819200x32xf32, #tpu.memory_space<hbm>> -> memref<256x32xf32, #tpu.memory_space<hbm>>
      %dma_start3A_427 = arith.constant 0 : i32
      %dma_start3A_428 = tpu.memref_slice %arg4[%multiple_of3A_33, %dma_start3A_427] : memref<819200x32xf32, #tpu.memory_space<hbm>> -> memref<256x32xf32, #tpu.memory_space<hbm>>
      tpu.enqueue_dma source(%arg10 : memref<256x32xf32, #tpu.memory_space<vmem>>) target(%dma_start3A_428 : memref<256x32xf32, #tpu.memory_space<hbm>>) target_semaphore(%arg13 : memref<!tpu.dma_semaphore, #tpu.memory_space<semaphore_mem>>)
      %mul3A_429 = arith.constant 2 : i32
      %mul3A_430 = arith.muli %add3A_22, %mul3A_429 : i32
      %add3A_431 = arith.constant 1 : i32
      %add3A_432 = arith.addi %mul3A_430, %add3A_431 : i32
      %gt3A_433 = arith.constant 0 : i32
      %gt3A_434 = arith.cmpi sgt, %add3A_22, %gt3A_433 : i32
      %mul3A_435 = arith.constant 100 : i32
      %mul3A_436 = arith.muli %add3A, %mul3A_435 : i32
      %add3A_437 = arith.addi %mul3A_436, %add3A_432 : i32
      %mul3A_438 = arith.constant 8 : i32
      %mul3A_439 = arith.muli %add3A_437, %mul3A_438 : i32
      %multiple_of3A_440 = tpu.assume_multiple %mul3A_439, 8 : i32
      %mul3A_441 = arith.constant 256 : i32
      %mul3A_442 = arith.muli %add3A_437, %mul3A_441 : i32
      %multiple_of3A_443 = tpu.assume_multiple %mul3A_442, 8 : i32
      "tpu.region"() ({
        %run_scoped3A = tpu.sem_alloc : memref<!tpu.dma_semaphore, #tpu.memory_space<semaphore_mem>>
        %dma_start3A_843 = arith.constant 0 : i32
        %dma_start3A_844 = tpu.memref_slice %arg3[%multiple_of3A_440, %dma_start3A_843] : memref<25600x32xi32, #tpu.memory_space<hbm>> -> memref<8x32xi32, #tpu.memory_space<hbm>>
        %dma_start3A_845 = arith.constant 0 : i32
        %dma_start3A_846 = tpu.memref_slice %arg3[%multiple_of3A_440, %dma_start3A_845] : memref<25600x32xi32, #tpu.memory_space<hbm>> -> memref<8x32xi32, #tpu.memory_space<hbm>>
        tpu.enqueue_dma source(%dma_start3A_846 : memref<8x32xi32, #tpu.memory_space<hbm>>) target(%arg7 : memref<8x32xi32, #tpu.memory_space<vmem>>) target_semaphore(%run_scoped3A : memref<!tpu.dma_semaphore, #tpu.memory_space<semaphore_mem>>)
        %dma_wait3A_847 = arith.constant 0 : i32
        %dma_wait3A_848 = tpu.memref_slice %arg3[%multiple_of3A_440, %dma_wait3A_847] : memref<25600x32xi32, #tpu.memory_space<hbm>> -> memref<8x32xi32, #tpu.memory_space<hbm>>
        %dma_wait3A_849 = arith.constant 0 : i32
        %dma_wait3A_850 = tpu.memref_slice %arg3[%multiple_of3A_440, %dma_wait3A_849] : memref<25600x32xi32, #tpu.memory_space<hbm>> -> memref<8x32xi32, #tpu.memory_space<hbm>>
        tpu.wait_dma2 semaphore(%run_scoped3A : memref<!tpu.dma_semaphore, #tpu.memory_space<semaphore_mem>>) src(%dma_wait3A_850 : memref<8x32xi32, #tpu.memory_space<hbm>>) dst(%arg7 : memref<8x32xi32, #tpu.memory_space<vmem>>)
        tpu.yield
      }) : () -> ()
      %add3A_444 = arith.constant 0 : i32
      %add3A_445 = arith.addi %multiple_of3A_443, %add3A_444 : i32
      %add3A_446 = vector.broadcast %add3A_445 : i32 to vector<16xi32>
      %add3A_447 = arith.addi %add3A_446, %iota3A : vector<16xi32>
      %get3A_448 = arith.constant 0 : i32
      %get3A_449 = arith.index_cast %get3A_448 : i32 to index
      %get3A_450 = arith.constant 0 : index
      %get3A_451 = tpu.vector_load %arg7[%get3A_449, %get3A_450] {strides = array<i32>} : memref<8x32xi32, #tpu.memory_space<vmem>>, vector<1x16xi32>,
      %get3A_452 = vector.shape_cast %get3A_451 : vector<1x16xi32> to vector<16xi32>
      %rem3A_453 = arith.constant 50 : i32
      %rem3A_454 = vector.broadcast %rem3A_453 : i32 to vector<16xi32>
      %rem3A_455 = arith.remsi %add3A_447, %rem3A_454 : vector<16xi32>
      %mul3A_456 = arith.constant 39 : i32
      %mul3A_457 = vector.broadcast %mul3A_456 : i32 to vector<16xi32>
      %mul3A_458 = arith.muli %mul3A_457, %rem3A_455 : vector<16xi32>
      %add3A_459 = arith.addi %get3A_452, %mul3A_458 : vector<16xi32>
      %swap3A_460 = arith.constant 0 : i32
      %swap3A_461 = arith.index_cast %swap3A_460 : i32 to index
      %swap3A_462 = arith.constant 0 : index
      %swap3A_463 = tpu.vector_load %arg9[%swap3A_461, %swap3A_462] {strides = array<i32>} : memref<2x128xi32, #tpu.memory_space<vmem>>, vector<1x16xi32>,
      %swap3A_464 = vector.shape_cast %swap3A_463 : vector<1x16xi32> to vector<16xi32>
      %swap3A_465 = vector.shape_cast %add3A_459 : vector<16xi32> to vector<1x16xi32>
      tpu.vector_store %arg9[%swap3A_461, %swap3A_462], %swap3A_465 {strides = array<i32>} : memref<2x128xi32, #tpu.memory_space<vmem>>, vector<1x16xi32>,
      %add3A_466 = arith.constant 16 : i32
      %add3A_467 = arith.addi %multiple_of3A_443, %add3A_466 : i32
      %add3A_468 = vector.broadcast %add3A_467 : i32 to vector<16xi32>
      %add3A_469 = arith.addi %add3A_468, %iota3A : vector<16xi32>
      %get3A_470 = arith.constant 0 : i32
      %get3A_471 = arith.index_cast %get3A_470 : i32 to index
      %get3A_472 = arith.constant 16 : index
      %get3A_473 = tpu.vector_load %arg7[%get3A_471, %get3A_472] {strides = array<i32>} : memref<8x32xi32, #tpu.memory_space<vmem>>, vector<1x16xi32>,
      %get3A_474 = vector.shape_cast %get3A_473 : vector<1x16xi32> to vector<16xi32>
      %rem3A_475 = arith.constant 50 : i32
      %rem3A_476 = vector.broadcast %rem3A_475 : i32 to vector<16xi32>
      %rem3A_477 = arith.remsi %add3A_469, %rem3A_476 : vector<16xi32>
      %mul3A_478 = arith.constant 39 : i32
      %mul3A_479 = vector.broadcast %mul3A_478 : i32 to vector<16xi32>
      %mul3A_480 = arith.muli %mul3A_479, %rem3A_477 : vector<16xi32>
      %add3A_481 = arith.addi %get3A_474, %mul3A_480 : vector<16xi32>
      %swap3A_482 = arith.constant 0 : i32
      %swap3A_483 = arith.index_cast %swap3A_482 : i32 to index
      %swap3A_484 = arith.constant 16 : index
      %swap3A_485 = tpu.vector_load %arg9[%swap3A_483, %swap3A_484] {strides = array<i32>} : memref<2x128xi32, #tpu.memory_space<vmem>>, vector<1x16xi32>,
      %swap3A_486 = vector.shape_cast %swap3A_485 : vector<1x16xi32> to vector<16xi32>
      %swap3A_487 = vector.shape_cast %add3A_481 : vector<16xi32> to vector<1x16xi32>
      tpu.vector_store %arg9[%swap3A_483, %swap3A_484], %swap3A_487 {strides = array<i32>} : memref<2x128xi32, #tpu.memory_space<vmem>>, vector<1x16xi32>,
      %add3A_488 = arith.constant 32 : i32
      %add3A_489 = arith.addi %multiple_of3A_443, %add3A_488 : i32
      %add3A_490 = vector.broadcast %add3A_489 : i32 to vector<16xi32>
      %add3A_491 = arith.addi %add3A_490, %iota3A : vector<16xi32>
      %get3A_492 = arith.constant 1 : i32
      %get3A_493 = arith.index_cast %get3A_492 : i32 to index
      %get3A_494 = arith.constant 0 : index
      %get3A_495 = tpu.vector_load %arg7[%get3A_493, %get3A_494] {strides = array<i32>} : memref<8x32xi32, #tpu.memory_space<vmem>>, vector<1x16xi32>,
      %get3A_496 = vector.shape_cast %get3A_495 : vector<1x16xi32> to vector<16xi32>
      %rem3A_497 = arith.constant 50 : i32
      %rem3A_498 = vector.broadcast %rem3A_497 : i32 to vector<16xi32>
      %rem3A_499 = arith.remsi %add3A_491, %rem3A_498 : vector<16xi32>
      %mul3A_500 = arith.constant 39 : i32
      %mul3A_501 = vector.broadcast %mul3A_500 : i32 to vector<16xi32>
      %mul3A_502 = arith.muli %mul3A_501, %rem3A_499 : vector<16xi32>
      %add3A_503 = arith.addi %get3A_496, %mul3A_502 : vector<16xi32>
      %swap3A_504 = arith.constant 0 : i32
      %swap3A_505 = arith.index_cast %swap3A_504 : i32 to index
      %swap3A_506 = arith.constant 32 : index
      %swap3A_507 = tpu.vector_load %arg9[%swap3A_505, %swap3A_506] {strides = array<i32>} : memref<2x128xi32, #tpu.memory_space<vmem>>, vector<1x16xi32>,
      %swap3A_508 = vector.shape_cast %swap3A_507 : vector<1x16xi32> to vector<16xi32>
      %swap3A_509 = vector.shape_cast %add3A_503 : vector<16xi32> to vector<1x16xi32>
      tpu.vector_store %arg9[%swap3A_505, %swap3A_506], %swap3A_509 {strides = array<i32>} : memref<2x128xi32, #tpu.memory_space<vmem>>, vector<1x16xi32>,
      %add3A_510 = arith.constant 48 : i32
      %add3A_511 = arith.addi %multiple_of3A_443, %add3A_510 : i32
      %add3A_512 = vector.broadcast %add3A_511 : i32 to vector<16xi32>
      %add3A_513 = arith.addi %add3A_512, %iota3A : vector<16xi32>
      %get3A_514 = arith.constant 1 : i32
      %get3A_515 = arith.index_cast %get3A_514 : i32 to index
      %get3A_516 = arith.constant 16 : index
      %get3A_517 = tpu.vector_load %arg7[%get3A_515, %get3A_516] {strides = array<i32>} : memref<8x32xi32, #tpu.memory_space<vmem>>, vector<1x16xi32>,
      %get3A_518 = vector.shape_cast %get3A_517 : vector<1x16xi32> to vector<16xi32>
      %rem3A_519 = arith.constant 50 : i32
      %rem3A_520 = vector.broadcast %rem3A_519 : i32 to vector<16xi32>
      %rem3A_521 = arith.remsi %add3A_513, %rem3A_520 : vector<16xi32>
      %mul3A_522 = arith.constant 39 : i32
      %mul3A_523 = vector.broadcast %mul3A_522 : i32 to vector<16xi32>
      %mul3A_524 = arith.muli %mul3A_523, %rem3A_521 : vector<16xi32>
      %add3A_525 = arith.addi %get3A_518, %mul3A_524 : vector<16xi32>
      %swap3A_526 = arith.constant 0 : i32
      %swap3A_527 = arith.index_cast %swap3A_526 : i32 to index
      %swap3A_528 = arith.constant 48 : index
      %swap3A_529 = tpu.vector_load %arg9[%swap3A_527, %swap3A_528] {strides = array<i32>} : memref<2x128xi32, #tpu.memory_space<vmem>>, vector<1x16xi32>,
      %swap3A_530 = vector.shape_cast %swap3A_529 : vector<1x16xi32> to vector<16xi32>
      %swap3A_531 = vector.shape_cast %add3A_525 : vector<16xi32> to vector<1x16xi32>
      tpu.vector_store %arg9[%swap3A_527, %swap3A_528], %swap3A_531 {strides = array<i32>} : memref<2x128xi32, #tpu.memory_space<vmem>>, vector<1x16xi32>,
      %add3A_532 = arith.constant 64 : i32
      %add3A_533 = arith.addi %multiple_of3A_443, %add3A_532 : i32
      %add3A_534 = vector.broadcast %add3A_533 : i32 to vector<16xi32>
      %add3A_535 = arith.addi %add3A_534, %iota3A : vector<16xi32>
      %get3A_536 = arith.constant 2 : i32
      %get3A_537 = arith.index_cast %get3A_536 : i32 to index
      %get3A_538 = arith.constant 0 : index
      %get3A_539 = tpu.vector_load %arg7[%get3A_537, %get3A_538] {strides = array<i32>} : memref<8x32xi32, #tpu.memory_space<vmem>>, vector<1x16xi32>,
      %get3A_540 = vector.shape_cast %get3A_539 : vector<1x16xi32> to vector<16xi32>
      %rem3A_541 = arith.constant 50 : i32
      %rem3A_542 = vector.broadcast %rem3A_541 : i32 to vector<16xi32>
      %rem3A_543 = arith.remsi %add3A_535, %rem3A_542 : vector<16xi32>
      %mul3A_544 = arith.constant 39 : i32
      %mul3A_545 = vector.broadcast %mul3A_544 : i32 to vector<16xi32>
      %mul3A_546 = arith.muli %mul3A_545, %rem3A_543 : vector<16xi32>
      %add3A_547 = arith.addi %get3A_540, %mul3A_546 : vector<16xi32>
      %swap3A_548 = arith.constant 0 : i32
      %swap3A_549 = arith.index_cast %swap3A_548 : i32 to index
      %swap3A_550 = arith.constant 64 : index
      %swap3A_551 = tpu.vector_load %arg9[%swap3A_549, %swap3A_550] {strides = array<i32>} : memref<2x128xi32, #tpu.memory_space<vmem>>, vector<1x16xi32>,
      %swap3A_552 = vector.shape_cast %swap3A_551 : vector<1x16xi32> to vector<16xi32>
      %swap3A_553 = vector.shape_cast %add3A_547 : vector<16xi32> to vector<1x16xi32>
      tpu.vector_store %arg9[%swap3A_549, %swap3A_550], %swap3A_553 {strides = array<i32>} : memref<2x128xi32, #tpu.memory_space<vmem>>, vector<1x16xi32>,
      %add3A_554 = arith.constant 80 : i32
      %add3A_555 = arith.addi %multiple_of3A_443, %add3A_554 : i32
      %add3A_556 = vector.broadcast %add3A_555 : i32 to vector<16xi32>
      %add3A_557 = arith.addi %add3A_556, %iota3A : vector<16xi32>
      %get3A_558 = arith.constant 2 : i32
      %get3A_559 = arith.index_cast %get3A_558 : i32 to index
      %get3A_560 = arith.constant 16 : index
      %get3A_561 = tpu.vector_load %arg7[%get3A_559, %get3A_560] {strides = array<i32>} : memref<8x32xi32, #tpu.memory_space<vmem>>, vector<1x16xi32>,
      %get3A_562 = vector.shape_cast %get3A_561 : vector<1x16xi32> to vector<16xi32>
      %rem3A_563 = arith.constant 50 : i32
      %rem3A_564 = vector.broadcast %rem3A_563 : i32 to vector<16xi32>
      %rem3A_565 = arith.remsi %add3A_557, %rem3A_564 : vector<16xi32>
      %mul3A_566 = arith.constant 39 : i32
      %mul3A_567 = vector.broadcast %mul3A_566 : i32 to vector<16xi32>
      %mul3A_568 = arith.muli %mul3A_567, %rem3A_565 : vector<16xi32>
      %add3A_569 = arith.addi %get3A_562, %mul3A_568 : vector<16xi32>
      %swap3A_570 = arith.constant 0 : i32
      %swap3A_571 = arith.index_cast %swap3A_570 : i32 to index
      %swap3A_572 = arith.constant 80 : index
      %swap3A_573 = tpu.vector_load %arg9[%swap3A_571, %swap3A_572] {strides = array<i32>} : memref<2x128xi32, #tpu.memory_space<vmem>>, vector<1x16xi32>,
      %swap3A_574 = vector.shape_cast %swap3A_573 : vector<1x16xi32> to vector<16xi32>
      %swap3A_575 = vector.shape_cast %add3A_569 : vector<16xi32> to vector<1x16xi32>
      tpu.vector_store %arg9[%swap3A_571, %swap3A_572], %swap3A_575 {strides = array<i32>} : memref<2x128xi32, #tpu.memory_space<vmem>>, vector<1x16xi32>,
      %add3A_576 = arith.constant 96 : i32
      %add3A_577 = arith.addi %multiple_of3A_443, %add3A_576 : i32
      %add3A_578 = vector.broadcast %add3A_577 : i32 to vector<16xi32>
      %add3A_579 = arith.addi %add3A_578, %iota3A : vector<16xi32>
      %get3A_580 = arith.constant 3 : i32
      %get3A_581 = arith.index_cast %get3A_580 : i32 to index
      %get3A_582 = arith.constant 0 : index
      %get3A_583 = tpu.vector_load %arg7[%get3A_581, %get3A_582] {strides = array<i32>} : memref<8x32xi32, #tpu.memory_space<vmem>>, vector<1x16xi32>,
      %get3A_584 = vector.shape_cast %get3A_583 : vector<1x16xi32> to vector<16xi32>
      %rem3A_585 = arith.constant 50 : i32
      %rem3A_586 = vector.broadcast %rem3A_585 : i32 to vector<16xi32>
      %rem3A_587 = arith.remsi %add3A_579, %rem3A_586 : vector<16xi32>
      %mul3A_588 = arith.constant 39 : i32
      %mul3A_589 = vector.broadcast %mul3A_588 : i32 to vector<16xi32>
      %mul3A_590 = arith.muli %mul3A_589, %rem3A_587 : vector<16xi32>
      %add3A_591 = arith.addi %get3A_584, %mul3A_590 : vector<16xi32>
      %swap3A_592 = arith.constant 0 : i32
      %swap3A_593 = arith.index_cast %swap3A_592 : i32 to index
      %swap3A_594 = arith.constant 96 : index
      %swap3A_595 = tpu.vector_load %arg9[%swap3A_593, %swap3A_594] {strides = array<i32>} : memref<2x128xi32, #tpu.memory_space<vmem>>, vector<1x16xi32>,
      %swap3A_596 = vector.shape_cast %swap3A_595 : vector<1x16xi32> to vector<16xi32>
      %swap3A_597 = vector.shape_cast %add3A_591 : vector<16xi32> to vector<1x16xi32>
      tpu.vector_store %arg9[%swap3A_593, %swap3A_594], %swap3A_597 {strides = array<i32>} : memref<2x128xi32, #tpu.memory_space<vmem>>, vector<1x16xi32>,
      %add3A_598 = arith.constant 112 : i32
      %add3A_599 = arith.addi %multiple_of3A_443, %add3A_598 : i32
      %add3A_600 = vector.broadcast %add3A_599 : i32 to vector<16xi32>
      %add3A_601 = arith.addi %add3A_600, %iota3A : vector<16xi32>
      %get3A_602 = arith.constant 3 : i32
      %get3A_603 = arith.index_cast %get3A_602 : i32 to index
      %get3A_604 = arith.constant 16 : index
      %get3A_605 = tpu.vector_load %arg7[%get3A_603, %get3A_604] {strides = array<i32>} : memref<8x32xi32, #tpu.memory_space<vmem>>, vector<1x16xi32>,
      %get3A_606 = vector.shape_cast %get3A_605 : vector<1x16xi32> to vector<16xi32>
      %rem3A_607 = arith.constant 50 : i32
      %rem3A_608 = vector.broadcast %rem3A_607 : i32 to vector<16xi32>
      %rem3A_609 = arith.remsi %add3A_601, %rem3A_608 : vector<16xi32>
      %mul3A_610 = arith.constant 39 : i32
      %mul3A_611 = vector.broadcast %mul3A_610 : i32 to vector<16xi32>
      %mul3A_612 = arith.muli %mul3A_611, %rem3A_609 : vector<16xi32>
      %add3A_613 = arith.addi %get3A_606, %mul3A_612 : vector<16xi32>
      %swap3A_614 = arith.constant 0 : i32
      %swap3A_615 = arith.index_cast %swap3A_614 : i32 to index
      %swap3A_616 = arith.constant 112 : index
      %swap3A_617 = tpu.vector_load %arg9[%swap3A_615, %swap3A_616] {strides = array<i32>} : memref<2x128xi32, #tpu.memory_space<vmem>>, vector<1x16xi32>,
      %swap3A_618 = vector.shape_cast %swap3A_617 : vector<1x16xi32> to vector<16xi32>
      %swap3A_619 = vector.shape_cast %add3A_613 : vector<16xi32> to vector<1x16xi32>
      tpu.vector_store %arg9[%swap3A_615, %swap3A_616], %swap3A_619 {strides = array<i32>} : memref<2x128xi32, #tpu.memory_space<vmem>>, vector<1x16xi32>,
      %add3A_620 = arith.constant 128 : i32
      %add3A_621 = arith.addi %multiple_of3A_443, %add3A_620 : i32
      %add3A_622 = vector.broadcast %add3A_621 : i32 to vector<16xi32>
      %add3A_623 = arith.addi %add3A_622, %iota3A : vector<16xi32>
      %get3A_624 = arith.constant 4 : i32
      %get3A_625 = arith.index_cast %get3A_624 : i32 to index
      %get3A_626 = arith.constant 0 : index
      %get3A_627 = tpu.vector_load %arg7[%get3A_625, %get3A_626] {strides = array<i32>} : memref<8x32xi32, #tpu.memory_space<vmem>>, vector<1x16xi32>,
      %get3A_628 = vector.shape_cast %get3A_627 : vector<1x16xi32> to vector<16xi32>
      %rem3A_629 = arith.constant 50 : i32
      %rem3A_630 = vector.broadcast %rem3A_629 : i32 to vector<16xi32>
      %rem3A_631 = arith.remsi %add3A_623, %rem3A_630 : vector<16xi32>
      %mul3A_632 = arith.constant 39 : i32
      %mul3A_633 = vector.broadcast %mul3A_632 : i32 to vector<16xi32>
      %mul3A_634 = arith.muli %mul3A_633, %rem3A_631 : vector<16xi32>
      %add3A_635 = arith.addi %get3A_628, %mul3A_634 : vector<16xi32>
      %swap3A_636 = arith.constant 1 : i32
      %swap3A_637 = arith.index_cast %swap3A_636 : i32 to index
      %swap3A_638 = arith.constant 0 : index
      %swap3A_639 = tpu.vector_load %arg9[%swap3A_637, %swap3A_638] {strides = array<i32>} : memref<2x128xi32, #tpu.memory_space<vmem>>, vector<1x16xi32>,
      %swap3A_640 = vector.shape_cast %swap3A_639 : vector<1x16xi32> to vector<16xi32>
      %swap3A_641 = vector.shape_cast %add3A_635 : vector<16xi32> to vector<1x16xi32>
      tpu.vector_store %arg9[%swap3A_637, %swap3A_638], %swap3A_641 {strides = array<i32>} : memref<2x128xi32, #tpu.memory_space<vmem>>, vector<1x16xi32>,
      %add3A_642 = arith.constant 144 : i32
      %add3A_643 = arith.addi %multiple_of3A_443, %add3A_642 : i32
      %add3A_644 = vector.broadcast %add3A_643 : i32 to vector<16xi32>
      %add3A_645 = arith.addi %add3A_644, %iota3A : vector<16xi32>
      %get3A_646 = arith.constant 4 : i32
      %get3A_647 = arith.index_cast %get3A_646 : i32 to index
      %get3A_648 = arith.constant 16 : index
      %get3A_649 = tpu.vector_load %arg7[%get3A_647, %get3A_648] {strides = array<i32>} : memref<8x32xi32, #tpu.memory_space<vmem>>, vector<1x16xi32>,
      %get3A_650 = vector.shape_cast %get3A_649 : vector<1x16xi32> to vector<16xi32>
      %rem3A_651 = arith.constant 50 : i32
      %rem3A_652 = vector.broadcast %rem3A_651 : i32 to vector<16xi32>
      %rem3A_653 = arith.remsi %add3A_645, %rem3A_652 : vector<16xi32>
      %mul3A_654 = arith.constant 39 : i32
      %mul3A_655 = vector.broadcast %mul3A_654 : i32 to vector<16xi32>
      %mul3A_656 = arith.muli %mul3A_655, %rem3A_653 : vector<16xi32>
      %add3A_657 = arith.addi %get3A_650, %mul3A_656 : vector<16xi32>
      %swap3A_658 = arith.constant 1 : i32
      %swap3A_659 = arith.index_cast %swap3A_658 : i32 to index
      %swap3A_660 = arith.constant 16 : index
      %swap3A_661 = tpu.vector_load %arg9[%swap3A_659, %swap3A_660] {strides = array<i32>} : memref<2x128xi32, #tpu.memory_space<vmem>>, vector<1x16xi32>,
      %swap3A_662 = vector.shape_cast %swap3A_661 : vector<1x16xi32> to vector<16xi32>
      %swap3A_663 = vector.shape_cast %add3A_657 : vector<16xi32> to vector<1x16xi32>
      tpu.vector_store %arg9[%swap3A_659, %swap3A_660], %swap3A_663 {strides = array<i32>} : memref<2x128xi32, #tpu.memory_space<vmem>>, vector<1x16xi32>,
      %add3A_664 = arith.constant 160 : i32
      %add3A_665 = arith.addi %multiple_of3A_443, %add3A_664 : i32
      %add3A_666 = vector.broadcast %add3A_665 : i32 to vector<16xi32>
      %add3A_667 = arith.addi %add3A_666, %iota3A : vector<16xi32>
      %get3A_668 = arith.constant 5 : i32
      %get3A_669 = arith.index_cast %get3A_668 : i32 to index
      %get3A_670 = arith.constant 0 : index
      %get3A_671 = tpu.vector_load %arg7[%get3A_669, %get3A_670] {strides = array<i32>} : memref<8x32xi32, #tpu.memory_space<vmem>>, vector<1x16xi32>,
      %get3A_672 = vector.shape_cast %get3A_671 : vector<1x16xi32> to vector<16xi32>
      %rem3A_673 = arith.constant 50 : i32
      %rem3A_674 = vector.broadcast %rem3A_673 : i32 to vector<16xi32>
      %rem3A_675 = arith.remsi %add3A_667, %rem3A_674 : vector<16xi32>
      %mul3A_676 = arith.constant 39 : i32
      %mul3A_677 = vector.broadcast %mul3A_676 : i32 to vector<16xi32>
      %mul3A_678 = arith.muli %mul3A_677, %rem3A_675 : vector<16xi32>
      %add3A_679 = arith.addi %get3A_672, %mul3A_678 : vector<16xi32>
      %swap3A_680 = arith.constant 1 : i32
      %swap3A_681 = arith.index_cast %swap3A_680 : i32 to index
      %swap3A_682 = arith.constant 32 : index
      %swap3A_683 = tpu.vector_load %arg9[%swap3A_681, %swap3A_682] {strides = array<i32>} : memref<2x128xi32, #tpu.memory_space<vmem>>, vector<1x16xi32>,
      %swap3A_684 = vector.shape_cast %swap3A_683 : vector<1x16xi32> to vector<16xi32>
      %swap3A_685 = vector.shape_cast %add3A_679 : vector<16xi32> to vector<1x16xi32>
      tpu.vector_store %arg9[%swap3A_681, %swap3A_682], %swap3A_685 {strides = array<i32>} : memref<2x128xi32, #tpu.memory_space<vmem>>, vector<1x16xi32>,
      %add3A_686 = arith.constant 176 : i32
      %add3A_687 = arith.addi %multiple_of3A_443, %add3A_686 : i32
      %add3A_688 = vector.broadcast %add3A_687 : i32 to vector<16xi32>
      %add3A_689 = arith.addi %add3A_688, %iota3A : vector<16xi32>
      %get3A_690 = arith.constant 5 : i32
      %get3A_691 = arith.index_cast %get3A_690 : i32 to index
      %get3A_692 = arith.constant 16 : index
      %get3A_693 = tpu.vector_load %arg7[%get3A_691, %get3A_692] {strides = array<i32>} : memref<8x32xi32, #tpu.memory_space<vmem>>, vector<1x16xi32>,
      %get3A_694 = vector.shape_cast %get3A_693 : vector<1x16xi32> to vector<16xi32>
      %rem3A_695 = arith.constant 50 : i32
      %rem3A_696 = vector.broadcast %rem3A_695 : i32 to vector<16xi32>
      %rem3A_697 = arith.remsi %add3A_689, %rem3A_696 : vector<16xi32>
      %mul3A_698 = arith.constant 39 : i32
      %mul3A_699 = vector.broadcast %mul3A_698 : i32 to vector<16xi32>
      %mul3A_700 = arith.muli %mul3A_699, %rem3A_697 : vector<16xi32>
      %add3A_701 = arith.addi %get3A_694, %mul3A_700 : vector<16xi32>
      %swap3A_702 = arith.constant 1 : i32
      %swap3A_703 = arith.index_cast %swap3A_702 : i32 to index
      %swap3A_704 = arith.constant 48 : index
      %swap3A_705 = tpu.vector_load %arg9[%swap3A_703, %swap3A_704] {strides = array<i32>} : memref<2x128xi32, #tpu.memory_space<vmem>>, vector<1x16xi32>,
      %swap3A_706 = vector.shape_cast %swap3A_705 : vector<1x16xi32> to vector<16xi32>
      %swap3A_707 = vector.shape_cast %add3A_701 : vector<16xi32> to vector<1x16xi32>
      tpu.vector_store %arg9[%swap3A_703, %swap3A_704], %swap3A_707 {strides = array<i32>} : memref<2x128xi32, #tpu.memory_space<vmem>>, vector<1x16xi32>,
      %add3A_708 = arith.constant 192 : i32
      %add3A_709 = arith.addi %multiple_of3A_443, %add3A_708 : i32
      %add3A_710 = vector.broadcast %add3A_709 : i32 to vector<16xi32>
      %add3A_711 = arith.addi %add3A_710, %iota3A : vector<16xi32>
      %get3A_712 = arith.constant 6 : i32
      %get3A_713 = arith.index_cast %get3A_712 : i32 to index
      %get3A_714 = arith.constant 0 : index
      %get3A_715 = tpu.vector_load %arg7[%get3A_713, %get3A_714] {strides = array<i32>} : memref<8x32xi32, #tpu.memory_space<vmem>>, vector<1x16xi32>,
      %get3A_716 = vector.shape_cast %get3A_715 : vector<1x16xi32> to vector<16xi32>
      %rem3A_717 = arith.constant 50 : i32
      %rem3A_718 = vector.broadcast %rem3A_717 : i32 to vector<16xi32>
      %rem3A_719 = arith.remsi %add3A_711, %rem3A_718 : vector<16xi32>
      %mul3A_720 = arith.constant 39 : i32
      %mul3A_721 = vector.broadcast %mul3A_720 : i32 to vector<16xi32>
      %mul3A_722 = arith.muli %mul3A_721, %rem3A_719 : vector<16xi32>
      %add3A_723 = arith.addi %get3A_716, %mul3A_722 : vector<16xi32>
      %swap3A_724 = arith.constant 1 : i32
      %swap3A_725 = arith.index_cast %swap3A_724 : i32 to index
      %swap3A_726 = arith.constant 64 : index
      %swap3A_727 = tpu.vector_load %arg9[%swap3A_725, %swap3A_726] {strides = array<i32>} : memref<2x128xi32, #tpu.memory_space<vmem>>, vector<1x16xi32>,
      %swap3A_728 = vector.shape_cast %swap3A_727 : vector<1x16xi32> to vector<16xi32>
      %swap3A_729 = vector.shape_cast %add3A_723 : vector<16xi32> to vector<1x16xi32>
      tpu.vector_store %arg9[%swap3A_725, %swap3A_726], %swap3A_729 {strides = array<i32>} : memref<2x128xi32, #tpu.memory_space<vmem>>, vector<1x16xi32>,
      %add3A_730 = arith.constant 208 : i32
      %add3A_731 = arith.addi %multiple_of3A_443, %add3A_730 : i32
      %add3A_732 = vector.broadcast %add3A_731 : i32 to vector<16xi32>
      %add3A_733 = arith.addi %add3A_732, %iota3A : vector<16xi32>
      %get3A_734 = arith.constant 6 : i32
      %get3A_735 = arith.index_cast %get3A_734 : i32 to index
      %get3A_736 = arith.constant 16 : index
      %get3A_737 = tpu.vector_load %arg7[%get3A_735, %get3A_736] {strides = array<i32>} : memref<8x32xi32, #tpu.memory_space<vmem>>, vector<1x16xi32>,
      %get3A_738 = vector.shape_cast %get3A_737 : vector<1x16xi32> to vector<16xi32>
      %rem3A_739 = arith.constant 50 : i32
      %rem3A_740 = vector.broadcast %rem3A_739 : i32 to vector<16xi32>
      %rem3A_741 = arith.remsi %add3A_733, %rem3A_740 : vector<16xi32>
      %mul3A_742 = arith.constant 39 : i32
      %mul3A_743 = vector.broadcast %mul3A_742 : i32 to vector<16xi32>
      %mul3A_744 = arith.muli %mul3A_743, %rem3A_741 : vector<16xi32>
      %add3A_745 = arith.addi %get3A_738, %mul3A_744 : vector<16xi32>
      %swap3A_746 = arith.constant 1 : i32
      %swap3A_747 = arith.index_cast %swap3A_746 : i32 to index
      %swap3A_748 = arith.constant 80 : index
      %swap3A_749 = tpu.vector_load %arg9[%swap3A_747, %swap3A_748] {strides = array<i32>} : memref<2x128xi32, #tpu.memory_space<vmem>>, vector<1x16xi32>,
      %swap3A_750 = vector.shape_cast %swap3A_749 : vector<1x16xi32> to vector<16xi32>
      %swap3A_751 = vector.shape_cast %add3A_745 : vector<16xi32> to vector<1x16xi32>
      tpu.vector_store %arg9[%swap3A_747, %swap3A_748], %swap3A_751 {strides = array<i32>} : memref<2x128xi32, #tpu.memory_space<vmem>>, vector<1x16xi32>,
      %add3A_752 = arith.constant 224 : i32
      %add3A_753 = arith.addi %multiple_of3A_443, %add3A_752 : i32
      %add3A_754 = vector.broadcast %add3A_753 : i32 to vector<16xi32>
      %add3A_755 = arith.addi %add3A_754, %iota3A : vector<16xi32>
      %get3A_756 = arith.constant 7 : i32
      %get3A_757 = arith.index_cast %get3A_756 : i32 to index
      %get3A_758 = arith.constant 0 : index
      %get3A_759 = tpu.vector_load %arg7[%get3A_757, %get3A_758] {strides = array<i32>} : memref<8x32xi32, #tpu.memory_space<vmem>>, vector<1x16xi32>,
      %get3A_760 = vector.shape_cast %get3A_759 : vector<1x16xi32> to vector<16xi32>
      %rem3A_761 = arith.constant 50 : i32
      %rem3A_762 = vector.broadcast %rem3A_761 : i32 to vector<16xi32>
      %rem3A_763 = arith.remsi %add3A_755, %rem3A_762 : vector<16xi32>
      %mul3A_764 = arith.constant 39 : i32
      %mul3A_765 = vector.broadcast %mul3A_764 : i32 to vector<16xi32>
      %mul3A_766 = arith.muli %mul3A_765, %rem3A_763 : vector<16xi32>
      %add3A_767 = arith.addi %get3A_760, %mul3A_766 : vector<16xi32>
      %swap3A_768 = arith.constant 1 : i32
      %swap3A_769 = arith.index_cast %swap3A_768 : i32 to index
      %swap3A_770 = arith.constant 96 : index
      %swap3A_771 = tpu.vector_load %arg9[%swap3A_769, %swap3A_770] {strides = array<i32>} : memref<2x128xi32, #tpu.memory_space<vmem>>, vector<1x16xi32>,
      %swap3A_772 = vector.shape_cast %swap3A_771 : vector<1x16xi32> to vector<16xi32>
      %swap3A_773 = vector.shape_cast %add3A_767 : vector<16xi32> to vector<1x16xi32>
      tpu.vector_store %arg9[%swap3A_769, %swap3A_770], %swap3A_773 {strides = array<i32>} : memref<2x128xi32, #tpu.memory_space<vmem>>, vector<1x16xi32>,
      %add3A_774 = arith.constant 240 : i32
      %add3A_775 = arith.addi %multiple_of3A_443, %add3A_774 : i32
      %add3A_776 = vector.broadcast %add3A_775 : i32 to vector<16xi32>
      %add3A_777 = arith.addi %add3A_776, %iota3A : vector<16xi32>
      %get3A_778 = arith.constant 7 : i32
      %get3A_779 = arith.index_cast %get3A_778 : i32 to index
      %get3A_780 = arith.constant 16 : index
      %get3A_781 = tpu.vector_load %arg7[%get3A_779, %get3A_780] {strides = array<i32>} : memref<8x32xi32, #tpu.memory_space<vmem>>, vector<1x16xi32>,
      %get3A_782 = vector.shape_cast %get3A_781 : vector<1x16xi32> to vector<16xi32>
      %rem3A_783 = arith.constant 50 : i32
      %rem3A_784 = vector.broadcast %rem3A_783 : i32 to vector<16xi32>
      %rem3A_785 = arith.remsi %add3A_777, %rem3A_784 : vector<16xi32>
      %mul3A_786 = arith.constant 39 : i32
      %mul3A_787 = vector.broadcast %mul3A_786 : i32 to vector<16xi32>
      %mul3A_788 = arith.muli %mul3A_787, %rem3A_785 : vector<16xi32>
      %add3A_789 = arith.addi %get3A_782, %mul3A_788 : vector<16xi32>
      %swap3A_790 = arith.constant 1 : i32
      %swap3A_791 = arith.index_cast %swap3A_790 : i32 to index
      %swap3A_792 = arith.constant 112 : index
      %swap3A_793 = tpu.vector_load %arg9[%swap3A_791, %swap3A_792] {strides = array<i32>} : memref<2x128xi32, #tpu.memory_space<vmem>>, vector<1x16xi32>,
      %swap3A_794 = vector.shape_cast %swap3A_793 : vector<1x16xi32> to vector<16xi32>
      %swap3A_795 = vector.shape_cast %add3A_789 : vector<16xi32> to vector<1x16xi32>
      tpu.vector_store %arg9[%swap3A_791, %swap3A_792], %swap3A_795 {strides = array<i32>} : memref<2x128xi32, #tpu.memory_space<vmem>>, vector<1x16xi32>,
      %convert_element_type3A_796 = arith.extui %gt3A_434 : i1 to i32
      %cond3A_797 = arith.constant 0 : i32
      %cond3A_798 = arith.cmpi ne, %convert_element_type3A_796, %cond3A_797 : i32
      scf.if %cond3A_798 {
        %dma_wait3A_843 = arith.constant 0 : i32
        %dma_wait3A_844 = arith.constant 0 : i32
        %dma_wait3A_845 = tpu.memref_slice %arg4[%dma_wait3A_843, %dma_wait3A_844] : memref<819200x32xf32, #tpu.memory_space<hbm>> -> memref<256x32xf32, #tpu.memory_space<hbm>>
        %dma_wait3A_846 = arith.constant 0 : i32
        %dma_wait3A_847 = arith.constant 0 : i32
        %dma_wait3A_848 = tpu.memref_slice %arg4[%dma_wait3A_846, %dma_wait3A_847] : memref<819200x32xf32, #tpu.memory_space<hbm>> -> memref<256x32xf32, #tpu.memory_space<hbm>>
        tpu.wait_dma2 semaphore(%arg14 : memref<!tpu.dma_semaphore, #tpu.memory_space<semaphore_mem>>) src(%arg11 : memref<256x32xf32, #tpu.memory_space<vmem>>) dst(%dma_wait3A_848 : memref<256x32xf32, #tpu.memory_space<hbm>>)
      } else {
      }
      %dma_start3A_799 = arith.constant 0 : i32
      %dma_start3A_800 = arith.constant 0 : i32
      %dma_start3A_801 = arith.constant 0 : i32
      %dma_start3A_802 = tpu.memref_slice %arg11[%dma_start3A_800, %dma_start3A_801] : memref<256x32xf32, #tpu.memory_space<vmem>> -> memref<128x32xf32, #tpu.memory_space<vmem>>
      %dma_start3A_803 = arith.constant 0 : i32
      %dma_start3A_804 = tpu.memref_slice %arg9[%dma_start3A_799, %dma_start3A_803] : memref<2x128xi32, #tpu.memory_space<vmem>> -> memref<1x128xi32, #tpu.memory_space<vmem>>
      %dma_start3A_805 = tpu.memref_squeeze %dma_start3A_804 : memref<1x128xi32, #tpu.memory_space<vmem>> -> memref<128xi32, #tpu.memory_space<vmem>>
      %dma_start3A_806 = arith.constant 0 : i32
      %dma_start3A_807 = arith.constant 0 : i32
      %dma_start3A_808 = tpu.memref_slice %arg5[%dma_start3A_806, %dma_start3A_807] : memref<1950x32xf32, #tpu.memory_space<vmem_shared>> -> memref<1950x32xf32, #tpu.memory_space<vmem_shared>>
      tpu.enqueue_indirect_dma source(%dma_start3A_808 : memref<1950x32xf32, #tpu.memory_space<vmem_shared>>) target(%dma_start3A_802 : memref<128x32xf32, #tpu.memory_space<vmem>>) offsets(%dma_start3A_805 : memref<128xi32, #tpu.memory_space<vmem>>) semaphore(%arg12 : memref<!tpu.dma_semaphore, #tpu.memory_space<semaphore_mem>>)
      %dma_start3A_809 = arith.constant 1 : i32
      %dma_start3A_810 = arith.constant 128 : i32
      %dma_start3A_811 = arith.constant 0 : i32
      %dma_start3A_812 = tpu.memref_slice %arg11[%dma_start3A_810, %dma_start3A_811] : memref<256x32xf32, #tpu.memory_space<vmem>> -> memref<128x32xf32, #tpu.memory_space<vmem>>
      %dma_start3A_813 = arith.constant 0 : i32
      %dma_start3A_814 = tpu.memref_slice %arg9[%dma_start3A_809, %dma_start3A_813] : memref<2x128xi32, #tpu.memory_space<vmem>> -> memref<1x128xi32, #tpu.memory_space<vmem>>
      %dma_start3A_815 = tpu.memref_squeeze %dma_start3A_814 : memref<1x128xi32, #tpu.memory_space<vmem>> -> memref<128xi32, #tpu.memory_space<vmem>>
      %dma_start3A_816 = arith.constant 0 : i32
      %dma_start3A_817 = arith.constant 0 : i32
      %dma_start3A_818 = tpu.memref_slice %arg5[%dma_start3A_816, %dma_start3A_817] : memref<1950x32xf32, #tpu.memory_space<vmem_shared>> -> memref<1950x32xf32, #tpu.memory_space<vmem_shared>>
      tpu.enqueue_indirect_dma source(%dma_start3A_818 : memref<1950x32xf32, #tpu.memory_space<vmem_shared>>) target(%dma_start3A_812 : memref<128x32xf32, #tpu.memory_space<vmem>>) offsets(%dma_start3A_815 : memref<128xi32, #tpu.memory_space<vmem>>) semaphore(%arg12 : memref<!tpu.dma_semaphore, #tpu.memory_space<semaphore_mem>>)
      %dma_wait3A_819 = arith.constant 0 : i32
      %dma_wait3A_820 = arith.constant 0 : i32
      %dma_wait3A_821 = arith.constant 0 : i32
      %dma_wait3A_822 = tpu.memref_slice %arg11[%dma_wait3A_820, %dma_wait3A_821] : memref<256x32xf32, #tpu.memory_space<vmem>> -> memref<128x32xf32, #tpu.memory_space<vmem>>
      %dma_wait3A_823 = arith.constant 0 : i32
      %dma_wait3A_824 = tpu.memref_slice %arg9[%dma_wait3A_819, %dma_wait3A_823] : memref<2x128xi32, #tpu.memory_space<vmem>> -> memref<1x128xi32, #tpu.memory_space<vmem>>
      %dma_wait3A_825 = tpu.memref_squeeze %dma_wait3A_824 : memref<1x128xi32, #tpu.memory_space<vmem>> -> memref<128xi32, #tpu.memory_space<vmem>>
      %dma_wait3A_826 = arith.constant 0 : i32
      %dma_wait3A_827 = arith.constant 0 : i32
      %dma_wait3A_828 = tpu.memref_slice %arg5[%dma_wait3A_826, %dma_wait3A_827] : memref<1950x32xf32, #tpu.memory_space<vmem_shared>> -> memref<1950x32xf32, #tpu.memory_space<vmem_shared>>
      tpu.wait_indirect_dma semaphore(%arg12 : memref<!tpu.dma_semaphore, #tpu.memory_space<semaphore_mem>>) src(%dma_wait3A_828 : memref<1950x32xf32, #tpu.memory_space<vmem_shared>>) dst(%dma_wait3A_822 : memref<128x32xf32, #tpu.memory_space<vmem>>)
      %dma_wait3A_829 = arith.constant 1 : i32
      %dma_wait3A_830 = arith.constant 128 : i32
      %dma_wait3A_831 = arith.constant 0 : i32
      %dma_wait3A_832 = tpu.memref_slice %arg11[%dma_wait3A_830, %dma_wait3A_831] : memref<256x32xf32, #tpu.memory_space<vmem>> -> memref<128x32xf32, #tpu.memory_space<vmem>>
      %dma_wait3A_833 = arith.constant 0 : i32
      %dma_wait3A_834 = tpu.memref_slice %arg9[%dma_wait3A_829, %dma_wait3A_833] : memref<2x128xi32, #tpu.memory_space<vmem>> -> memref<1x128xi32, #tpu.memory_space<vmem>>
      %dma_wait3A_835 = tpu.memref_squeeze %dma_wait3A_834 : memref<1x128xi32, #tpu.memory_space<vmem>> -> memref<128xi32, #tpu.memory_space<vmem>>
      %dma_wait3A_836 = arith.constant 0 : i32
      %dma_wait3A_837 = arith.constant 0 : i32
      %dma_wait3A_838 = tpu.memref_slice %arg5[%dma_wait3A_836, %dma_wait3A_837] : memref<1950x32xf32, #tpu.memory_space<vmem_shared>> -> memref<1950x32xf32, #tpu.memory_space<vmem_shared>>
      tpu.wait_indirect_dma semaphore(%arg12 : memref<!tpu.dma_semaphore, #tpu.memory_space<semaphore_mem>>) src(%dma_wait3A_838 : memref<1950x32xf32, #tpu.memory_space<vmem_shared>>) dst(%dma_wait3A_832 : memref<128x32xf32, #tpu.memory_space<vmem>>)
      %dma_start3A_839 = arith.constant 0 : i32
      %dma_start3A_840 = tpu.memref_slice %arg4[%multiple_of3A_443, %dma_start3A_839] : memref<819200x32xf32, #tpu.memory_space<hbm>> -> memref<256x32xf32, #tpu.memory_space<hbm>>
      %dma_start3A_841 = arith.constant 0 : i32
      %dma_start3A_842 = tpu.memref_slice %arg4[%multiple_of3A_443, %dma_start3A_841] : memref<819200x32xf32, #tpu.memory_space<hbm>> -> memref<256x32xf32, #tpu.memory_space<hbm>>
      tpu.enqueue_dma source(%arg11 : memref<256x32xf32, #tpu.memory_space<vmem>>) target(%dma_start3A_842 : memref<256x32xf32, #tpu.memory_space<hbm>>) target_semaphore(%arg14 : memref<!tpu.dma_semaphore, #tpu.memory_space<semaphore_mem>>)
    }
    %scan3A_6 = arith.constant 50 : i32
    %dma_wait3A = arith.constant 0 : i32
    %dma_wait3A_7 = arith.constant 0 : i32
    %dma_wait3A_8 = tpu.memref_slice %arg4[%dma_wait3A, %dma_wait3A_7] : memref<819200x32xf32, #tpu.memory_space<hbm>> -> memref<256x32xf32, #tpu.memory_space<hbm>>
    %dma_wait3A_9 = arith.constant 0 : i32
    %dma_wait3A_10 = arith.constant 0 : i32
    %dma_wait3A_11 = tpu.memref_slice %arg4[%dma_wait3A_9, %dma_wait3A_10] : memref<819200x32xf32, #tpu.memory_space<hbm>> -> memref<256x32xf32, #tpu.memory_space<hbm>>
    tpu.wait_dma2 semaphore(%arg13 : memref<!tpu.dma_semaphore, #tpu.memory_space<semaphore_mem>>) src(%arg10 : memref<256x32xf32, #tpu.memory_space<vmem>>) dst(%dma_wait3A_11 : memref<256x32xf32, #tpu.memory_space<hbm>>)
    %dma_wait3A_12 = arith.constant 0 : i32
    %dma_wait3A_13 = arith.constant 0 : i32
    %dma_wait3A_14 = tpu.memref_slice %arg4[%dma_wait3A_12, %dma_wait3A_13] : memref<819200x32xf32, #tpu.memory_space<hbm>> -> memref<256x32xf32, #tpu.memory_space<hbm>>
    %dma_wait3A_15 = arith.constant 0 : i32
    %dma_wait3A_16 = arith.constant 0 : i32
    %dma_wait3A_17 = tpu.memref_slice %arg4[%dma_wait3A_15, %dma_wait3A_16] : memref<819200x32xf32, #tpu.memory_space<hbm>> -> memref<256x32xf32, #tpu.memory_space<hbm>>
    tpu.wait_dma2 semaphore(%arg14 : memref<!tpu.dma_semaphore, #tpu.memory_space<semaphore_mem>>) src(%arg11 : memref<256x32xf32, #tpu.memory_space<vmem>>) dst(%dma_wait3A_17 : memref<256x32xf32, #tpu.memory_space<hbm>>)
    return
  }
}

module attributes {stable_mosaic.version = 14 : i64} {
  func.func @_table_body(%arg0: memref<1x1248xf32, #tpu.memory_space<vmem>>, %arg1: memref<50x1248xf32, #tpu.memory_space<vmem>>, %arg2: memref<50x1248xf32, #tpu.memory_space<vmem>>) attributes {dimension_semantics = [], scalar_prefetch = 0 : i64, scratch_operands = 0 : i64, tpu.core_type = #tpu.core_type<tc>} {
    %get3A = arith.constant 0 : index
    %get3A_0 = arith.constant 0 : index
    %get3A_1 = vector.load %arg0[%get3A, %get3A_0] : memref<1x1248xf32, #tpu.memory_space<vmem>>, vector<1x1248xf32>
    %get3A_2 = arith.constant 0 : index
    %get3A_3 = arith.constant 0 : index
    %get3A_4 = vector.load %arg1[%get3A_2, %get3A_3] : memref<50x1248xf32, #tpu.memory_space<vmem>>, vector<50x1248xf32>
    %add3A = vector.broadcast %get3A_1 : vector<1x1248xf32> to vector<50x1248xf32>
    %add3A_5 = arith.addf %add3A, %get3A_4 : vector<50x1248xf32>
    %swap3A = arith.constant 0 : index
    %swap3A_6 = arith.constant 0 : index
    %swap3A_7 = vector.load %arg2[%swap3A, %swap3A_6] : memref<50x1248xf32, #tpu.memory_space<vmem>>, vector<50x1248xf32>
    tpu.vector_store %arg2[%swap3A, %swap3A_6], %add3A_5 {strides = array<i32>} : memref<50x1248xf32, #tpu.memory_space<vmem>>, vector<50x1248xf32>,
    return
  }
}

</mosaic_0001>

<sc_bundles>
// kernel: kernel.4.cloned.1.call-start
scs
__scs_entry_jumppad:
0x0: {  	(pc) =	sbr.rel $0x88, $3  }
0x1: {  	(tag) =	ssettag $0x0;
	lr =	simm.s32 $0x1  }
0x2: {  	[smem:$0x3F9E] =	sst lr;
	_ =	strace $0xD0000000  }
0x3: {  	_ = 	snop  }
0x4: {  	_ = 	snop  }
0x5: {  	_ = 	snop  }
0x6: {  	_ = 	snop  }
0x7: {  	_ = 	snop  }
__scs_overlays_trampoline_lowered:
0x8: {  	[smem:$0x3FAD] =	sst s0  }
0x9: {  	[smem:$0x3FAE] =	sst s1  }
0xa: {  	[smem:$0x3FAF] =	sst s2  }
0xb: {  	[smem:$0x3FB0] =	sst s3  }
0xc: {  	[smem:$0x3FB1] =	sst s4  }
0xd: {  	[smem:$0x3FB2] =	sst s5  }
0xe: {  	[smem:$0x3FB3] =	sst s6  }
0xf: {  	[smem:$0x3FB4] =	sst s7  }
0x10: {  	[smem:$0x3FB5] =	sst s8  }
0x11: {  	[smem:$0x3FB6] =	sst s9;
	s0 =	simm.s32 @!p0 $0x0  }
0x12: {  	s1 =	sld [smem:$0x3F9C];
	s0 =	simm.s32 @p0 $0x1  }
0x13: {  	[smem:$0x3FB7] =	sst s0;
	s0 =	simm.s32 @!p1 $0x0  }
0x14: {  	s2 =	sld [smem:$0x3F9B];
	s0 =	simm.s32 @p1 $0x1  }
0x15: {  	[smem:$0x3FB8] =	sst s0;
	s0 =	simm.s32 @!p2 $0x0  }
0x16: {  	s3 =	sld [smem:$0x3FDB];
	s0 =	simm.s32 @p2 $0x1  }
0x17: {  	s4 =	simm.s32 $0x1BF5;
	[smem:$0x3FBA] =	sst s0  }
0x18: {  	s0 =	sld [smem:$0x3F9D];
	_ =	swait.ge [sflag:s4], $0x0  }
0x19: {  	s7 =	sld [smem:$0x3F9E]  }
0x1a: {  	s8 =	sadd.s32 $0xFFFFE003, lr  }
0x1b: {  	s9 =	sadd.s32 $0xFFFFFEF7, lr;
	s5 =	simm.s32 $0xFFFFFFFF;
	p2 =	slt.u32 s8, $0xFFFFF086  }
0x1c: {  	p1 =	slt.u32 s9, $0xF7A;
	s5 =	simm.s32 @!p2 $0x0  }
0x1d: {  	s5 =	simm.s32 @p1 $0x1;
	p0 =	seq.s32 s7, s2  }
0x1e: {  	s7 =	smul.u32 @!p0 $0xF7A, s2;
	p2 =	seq.s32 @!p0 s5, $0x0  }
0x1f: {  	s9 =	smul.u32 $0xF7A, s1;
	s8 =	simm.s32 @!p0 $0x1BF5;
	p2 =	por !p2, p0  }
0x20: {  	[sflag:s8] =	ssyncset.s32 @!p0 $0xFFFFF086;
	s6 =	sadd.s32 @!p0 s3, s7;
	s7 =	simm.s32 @!p0 $0x108  }
0x21: {  	s3 =	sadd.s32 s3, s9;
	s6 =	sadd.s32 @!p0 $0x88, s6;
	s7 =	simm.s32 @p2 $0x1082  }
0x22: {  	[simem:s7], [sflag:s8] =	dma.local @!p0 [hbm:s6], $0xF7A  }
0x23: {  	s9 =	sor.u32 $0xD0000000, s2;
	s6 =	simm.s32 $0x108;
	_ =	swait.ge @!p0 [sflag:s8], $0x0  }
0x24: {  	s3 =	sadd.s32 $0x88, s3;
	s6 =	simm.s32 @!p1 $0x1082;
	[sflag:s4] =	ssyncset.s32 $0xFFFFF086  }
0x25: {  	[simem:s6], [sflag:s4] =	dma.local [hbm:s3], $0xF7A  }
0x26: {  	[smem:$0x3F9E] =	sst s1;
	(tag) =	ssettag s2;
	_ =	strace s9  }
0x27: {  	s1 =	sld [smem:$0x3FAE]  }
0x28: {  	s2 =	sld [smem:$0x3FAF]  }
0x29: {  	s4 =	sld [smem:$0x3FB1]  }
0x2a: {  	p0 =	seq.s32 s5, $0x0;
	s5 =	sld [smem:$0x3FB2]  }
0x2b: {  	s6 =	sld [smem:$0x3FB3]  }
0x2c: {  	s7 =	sld [smem:$0x3FB4]  }
0x2d: {  	s3 =	simm.s32 $0x108;
	s8 =	sld [smem:$0x3FB5]  }
0x2e: {  	s3 =	simm.s32 @!p0 $0x1082;
	s9 =	sld [smem:$0x3FB6]  }
0x2f: {  	lr =	sadd.s32 s0, s3;
	s0 =	sld [smem:$0x3FAD]  }
0x30: {  	s3 =	sld [smem:$0x3FB0]  }
0x31: {  	[smem:$0x3FB9] =	sst s10  }
0x32: {  	s10 =	sld [smem:$0x3FB7];
	_ =	sdelay $0x3  }
0x33: {  	p0 =	seq.s32 s10, $0x1;
	s10 =	sld [smem:$0x3FB9];
	_ =	sdelay $0x3  }
0x34: {  	[smem:$0x3FB9] =	sst s10  }
0x35: {  	s10 =	sld [smem:$0x3FB8];
	_ =	sdelay $0x3  }
0x36: {  	p1 =	seq.s32 s10, $0x1;
	s10 =	sld [smem:$0x3FB9];
	_ =	sdelay $0x3  }
0x37: {  	[smem:$0x3FB9] =	sst s10  }
0x38: {  	s10 =	sld [smem:$0x3FBA]  }
0x39: {  	_ = 	snop;
	(pc) =	sbr.ind lr, $3  }
0x3a: {  	_ = 	snop  }
0x3b: {  	_ = 	snop  }
0x3c: {  	p2 =	seq.s32 s10, $0x1;
	s10 =	sld [smem:$0x3FB9]  }
0x3d: {  	_ =	shalt  }
0x3e: {  	_ =	shalt  }
0x3f: {  	_ =	shalt  }
0x40: {  	_ =	shalt  }
0x41: {  	_ =	shalt  }
0x42: {  	_ =	shalt  }
0x43: {  	_ =	shalt  }
0x44: {  	_ =	shalt  }
0x45: {  	_ =	shalt  }
0x46: {  	_ =	shalt  }
0x47: {  	_ =	shalt  }
0x48: {  	_ =	shalt  }
0x49: {  	_ =	shalt  }
0x4a: {  	_ =	shalt  }
0x4b: {  	_ =	shalt  }
0x4c: {  	_ =	shalt  }
0x4d: {  	_ =	shalt  }
0x4e: {  	_ =	shalt  }
0x4f: {  	_ =	shalt  }
0x50: {  	_ =	shalt  }
0x51: {  	_ =	shalt  }
0x52: {  	_ =	shalt  }
0x53: {  	_ =	shalt  }
0x54: {  	_ =	shalt  }
0x55: {  	_ =	shalt  }
0x56: {  	_ =	shalt  }
0x57: {  	_ =	shalt  }
0x58: {  	_ =	shalt  }
0x59: {  	_ =	shalt  }
0x5a: {  	_ =	shalt  }
0x5b: {  	_ =	shalt  }
0x5c: {  	_ =	shalt  }
0x5d: {  	_ =	shalt  }
0x5e: {  	_ =	shalt  }
0x5f: {  	_ =	shalt  }
0x60: {  	_ =	shalt  }
0x61: {  	_ =	shalt  }
0x62: {  	_ =	shalt  }
0x63: {  	_ =	shalt  }
0x64: {  	_ =	shalt  }
0x65: {  	_ =	shalt  }
0x66: {  	_ =	shalt  }
0x67: {  	_ =	shalt  }
0x68: {  	_ =	shalt  }
0x69: {  	_ =	shalt  }
0x6a: {  	_ =	shalt  }
0x6b: {  	_ =	shalt  }
0x6c: {  	_ =	shalt  }
0x6d: {  	_ =	shalt  }
0x6e: {  	_ =	shalt  }
0x6f: {  	_ =	shalt  }
0x70: {  	_ =	shalt  }
0x71: {  	_ =	shalt  }
0x72: {  	_ =	shalt  }
0x73: {  	_ =	shalt  }
0x74: {  	_ =	shalt  }
0x75: {  	_ =	shalt  }
0x76: {  	_ =	shalt  }
0x77: {  	_ =	shalt  }
0x78: {  	_ =	shalt  }
0x79: {  	_ =	shalt  }
0x7a: {  	_ =	shalt  }
0x7b: {  	_ =	shalt  }
0x7c: {  	_ =	shalt  }
0x7d: {  	_ =	shalt  }
0x7e: {  	_ =	shalt  }
0x7f: {  	_ =	shalt  }
0x80: {  	_ =	shalt  }
0x81: {  	_ =	shalt  }
0x82: {  	_ =	shalt  }
0x83: {  	_ =	shalt  }
0x84: {  	_ =	shalt  }
0x85: {  	_ =	shalt  }
0x86: {  	_ =	shalt  }
0x87: {  	_ =	shalt  }
.Lfunc_end0:
.L_simem_size_0:
called_computation.1_lowered:
.L_overlay_start_0:
0x88: {  	s2 =	sld [smem:$0x3FD9]  }
0x89: {  	s3 =	sld [smem:$0x3FFE];
	_ =	sdelay $0x1  }
0x8a: {  	s1 =	srdreg.scid  }
0x8b: {  	s0 =	sand.u32 $0x1, s1  }
0x8c: {  	s17 =	sshll.u32 s0, $0xA;
	s2 =	sadd.s32 s3, s2  }
0x8d: {  	s2 =	sadd.s32 s2, s17  }
0x8e: {  	[smem:$0x3FC5] =	sst s2  }
0x8f: {  	_ = 	snop  }
0x90: {  	s2 =	sld [smem:$0x3FD0];
	(tm) =	ssettm $0x1  }
0x91: {  	s18 =	sld [smem:$0x3FFB];
	_ =	sdelay $0x3  }
0x92: {  	_ =	strace s18  }
0x93: {  	s3 =	sld [smem:$0x3FFC];
	_ =	sdelay $0x3  }
0x94: {  	_ =	strace s3  }
0x95: {  	s3 =	sld [smem:$0x3FFD];
	_ =	sdelay $0x3  }
0x96: {  	_ =	strace s3  }
0x97: {  	_ =	strace $0x8FFFFFFF  }
0x98: {  	s19 =	sld [smem:$0x3FDB];
	_ =	sdelay $0x1  }
0x99: {  	s4 =	simm.s32 $_scs_section_size  }
0x9a: {  	s5 =	simm.s32 $_size__tile_overlayer_lowered;
	s6 =	simm.s32 $_tile_overlayer_lowered  }
0x9b: {  	s22 =	simm.s32 $0x1BFF;
	s21 =	sshll.u32 s6, $0x1;
	s3 =	sadd.s32 s4, s19  }
0x9c: {  	s7 =	simm.s32 $0x0;
	s20 =	sshll.u32 s5, $0x1;
	s5 =	sadd.s32 s21, s3  }
0x9d: {  	[timem:s7], [sflag:s22] =	dma.local [hbm:s5], s20  }
0x9e: {  	_ =	swait.ge [sflag:s22], s20  }
0x9f: {  	s4 =	ssub.s32 $0x0, s20;
	[sflag:s22] =	ssyncset.done $0x0  }
0xa0: {  	[sflag:s22] =	ssyncadd.s32 s4;
	_ =	sdelay $0x1  }
0xa1: {  	s23 =	simm.s32 $0x1B8B  }
0xa2: {  	_ =	swait.ge [sflag:s23], $0x1  }
0xa3: {  	[sflag:s23] =	ssyncset.done $0x0  }
0xa4: {  	s25 =	simm.s32 $0x1B8E;
	s24 =	sld [smem:$0x3FFE];
	[sflag:s23] =	ssyncadd.s32 $0xFFFFFFFF  }
0xa5: {  	s26 =	simm.s32 $execute0_lowered;
	[smem:$0x3FD2] =	sst s25  }
0xa6: {  	s5 =	sshll.u32 s26, $0x1;
	_ =	strace $0x80000046;
	[dreg:$0x1] =	wrdreg $0xFFFFFFFF  }
0xa7: {  	s28 =	simm.s32 $_size_execute0_lowered;
	s3 =	sadd.s32 s3, s5;
	[dreg:$0x0] =	wrdreg $0x0  }
0xa8: {  	s5 =	sshll.u32 s28, $0x1;
	[dreg:$0x2] =	wrdreg s3  }
0xa9: {  	[dreg:$0x3] =	wrdreg s5  }
0xaa: {  	[dreg:$0x4] =	wrdreg $0xC0  }
0xab: {  	_ =	task [dreg:s7], $0x5FFFF  }
0xac: {  	[dreg:$0x1] =	wrdreg $0xFFFFFFFF  }
0xad: {  	[dreg:$0x0] =	wrdreg $0x60  }
0xae: {  	[dreg:$0x2] =	wrdreg s24  }
0xaf: {  	[dreg:$0x3] =	wrdreg s2  }
0xb0: {  	[dreg:$0x4] =	wrdreg $0x0  }
0xb1: {  	[dreg:$0x5] =	wrdreg $0x9  }
0xb2: {  	_ =	task.clear_ibuf [dreg:s7], $0x6FFFF;
	_ =	strace $0x90000046  }
0xb3: {  	s29 =	simm.s32 $0x9;
	_ =	strace $0x80000048  }
0xb4: {  	_ =	swait.ge [sflag:s29], $0x1  }
0xb5: {  	[sflag:s29] =	ssyncadd.s32 $0xFFFFFFFF  }
0xb6: {  	_ =	strace $0x90000048  }
0xb7: {  	_ =	sfence  }
0xb8: {  	s30 =	sld [smem:$0x0];
	_ =	sdelay $0x2  }
0xb9: {  	s31 =	sshll.u32 s1, $0xD;
	s1 =	sshrl.u32 s1, $0x2  }
0xba: {  	s3 =	sand.u32 $0x4000, s31;
	s1 =	sadd.s32 s1, s30  }
0xbb: {  	s0 =	sor.u32 s3, s0;
	s1 =	sshll.u32 s1, $0x11  }
0xbc: {  	s0 =	sor.u32 s1, s0  }
0xbd: {  	s0 =	sadd.s32 $0x8F2B, s0  }
0xbe: {  	[sflag:s0] =	ssyncadd.remote.s32 $0x1  }
0xbf: {  	_ =	sfence.sel $0xFFFF  }
0xc0: {  	[dreg:$0x0] =	wrdreg $0xFFFFFFFF;
	(pc) =	sbr.abs _section_cstart, $3  }
0xc1: {  	[dreg:$0x1] =	wrdreg $0xFFFFFFFF  }
0xc2: {  	_ =	task.clear_ibuf [dreg:s7], $0x2FFFF;
	_ =	strace $0x9FFFFFFF  }
0xc3: {  	(tm) =	ssettm $0x7FFFFFFF  }
tec
execute0_lowered:
.L_overlay_start_1:
0x0: {  	(tag) =	ssettag $0x1  }
0x1: {  	s4 =	rddreg [dreg:$0x0]  }
0x2: {  	s8 =	rddreg [dreg:$0x1]  }
0x3: {  	s1 =	rddreg [dreg:$0x2]  }
0x4: {  	s0 =	rddreg [dreg:$0x3]  }
0x5: {  	s3 =	srdreg.scid;
	s9 =	stileid.u32  }
0x6: {  	s2 =	simm.s32 $0x0;
	s24 =	simm.s32 $0xF40;
	s25 =	simm.s32 $0x1740  }
0x7: {  	s26 =	simm.s32 $0x17C0;
	s28 =	simm.s32 $0x5940;
	s29 =	simm.s32 $0x1340  }
0x8: {  	s30 =	simm.s32 $0x1840;
	s31 =	simm.s32 $0x18C0;
	s5 =	smul.u32 $0xC8, s9  }
0x9: {  	s14 =	simm.s32 $0x9940;
	[smem:$0x7FF] =	sst s2;
	s17 =	smul.u32 $0xC800, s9  }
0xa: {  	s20 =	smul.u32 $0xC8000, s9;
	_ =	strace $0x80000047;
	[dreg:$0x5] =	wrdreg s24  }
0xb: {  	s10 =	sand.u32 $0x1, s3;
	s23 =	smul.u32 $0x6400, s9;
	[dreg:$0x6] =	wrdreg s25  }
0xc: {  	s3 =	sadd.s32 $0x800, s4;
	s7 =	smul.u32 $0x64, s10;
	[dreg:$0x8] =	wrdreg s26  }
0xd: {  	s12 =	sadd.s32 $0x8200, s4;
	s13 =	smul.u32 $0x6400, s10;
	[dreg:$0x7] =	wrdreg s28  }
0xe: {  	p0 =	sne.s32 s9, $0x0;
	s21 =	smul.u32 $0x64000, s10;
	[dreg:$0x9] =	wrdreg s29  }
0xf: {  	s6 =	ssub.s32 $0x2, s10;
	s10 =	smul.u32 $0x3200, s10;
	[dreg:$0xa] =	wrdreg s30  }
0x10: {  	s9 =	sshrl.u32 @!p0 s1, $0x3;
	[dreg:$0xc] =	wrdreg s31;
	s11 =	sshrl.u32 s6, $0x1  }
0x11: {  	s22 =	sadd.s32 s20, s12;
	s15 =	ssub.s32 s6, s11;
	s5 =	sadd.s32 s7, s5  }
0x12: {  	s7 =	sadd.s32 s13, s17;
	s11 =	simm.s32 $0x80;
	s13 =	simm.s32 $0x1  }
0x13: {  	s17 =	simm.s32 $0x0;
	s4 =	smax.u32 s15, $0x1;
	s16 =	sshll.u32 s5, $0xC  }
0x14: {  	s18 =	sshll.u32 s5, $0x7;
	[dreg:$0x4] =	wrdreg s7;
	s7 =	sadd.s32 s21, s22  }
0x15: {  	s15 =	simm.s32 $0xD940;
	s6 =	sadd.s32 s16, s12;
	s19 =	sadd.s32 s18, s8  }
0x16: {  	s8 =	sadd.s32 s23, s8;
	s12 =	simm.s32 $0x1940;
	[dreg:$0xb] =	wrdreg s15  }
0x17: {  	s15 =	simm.s32 $0x2;
	s16 =	simm.s32 $0x3;
	s5 =	sadd.s32 $0x1000, s6  }
0x18: {  	v0 =	vlaneseq.u32;
	s6 =	sadd.s32 $0x80, s19;
	s8 =	sadd.s32 s10, s8;
	s10 =	simm.s32 $0x4  }
.LBB2_1:
0x19: {  	s18 =	simm.s32 @!p0 $0x1C04  }
0x1a: {  	[spmem:s9], [sflag:s18] =	dma.local @!p0 [hbm:s3], $0x79E0  }
0x1b: {  	s18 =	simm.s32 @!p0 $0x4  }
0x1c: {  	_ =	swait.ge @!p0 [sflag:s18], $0x79E0  }
0x1d: {  	s19 =	smov.u32 s7;
	[sflag:s18] =	ssyncset.done @!p0 $0x0  }
0x1e: {  	s20 =	smov.u32 s6;
	s21 =	smov.u32 s5;
	[sflag:s18] =	ssyncadd.s32 @!p0 $0xFFFF8620  }
0x1f: {  	s22 =	simm.s32 $0x0;
	s18 =	smov.u32 s8;
	[bflag:$0x0] =	sbarrier.arrive $0xFFFF  }
.LBB2_2:
0x20: {  	s23 =	rddreg [dreg:$0x4]  }
0x21: {  	s24 =	rddreg [dreg:$0x5];
	s23 =	sadd.s32 s22, s23  }
0x22: {  	[tilespmem:s24], [sflag:$0x4] =	stream.linear.gather [hbm4b:s18+s2], $0x400, $0x38;
	[tilespmem:$0x11940] =	vst v63  }
0x23: {  	v1 =	vor.u32 s23, v0;
	s25 =	sadd.s32 $0x10, s23  }
0x24: {  	s28 =	sadd.s32 $0x30, s23;
	v2 =	vmulhi.u32 $0x51EB851F, v1;
	v3 =	vor.u32 s25, v0  }
0x25: {  	s29 =	sadd.s32 $0x40, s23;
	v62 =	vor.u32 s28, v0;
	v4 =	vmulhi.u32 $0x51EB851F, v3  }
0x26: {  	s30 =	sadd.s32 $0x50, s23;
	v8 =	vor.u32 s29, v0;
	v14 =	vmulhi.u32 $0x51EB851F, v62  }
0x27: {  	s26 =	sadd.s32 $0x20, s23;
	v9 =	vor.u32 s30, v0;
	s25 =	sadd.s32 $0x70, s23;
	v15 =	vmulhi.u32 $0x51EB851F, v8  }
0x28: {  	v7 =	vor.u32 s26, v0;
	s26 =	sadd.s32 $0x80, s23;
	v10 =	vmulhi.u32 $0x51EB851F, v9;
	v20 =	vor.u32 s25, v0  }
0x29: {  	s31 =	sadd.s32 $0x60, s23;
	s28 =	sadd.s32 $0x90, s23;
	v23 =	vor.u32 s26, v0;
	v21 =	vmulhi.u32 $0x51EB851F, v20  }
0x2a: {  	v12 =	vor.u32 s31, v0;
	s31 =	sadd.s32 $0xC0, s23;
	v25 =	vor.u32 s28, v0;
	v24 =	vmulhi.u32 $0x51EB851F, v23  }
0x2b: {  	_ =	swait.ge [sflag:s10], $0x400;
	v36 =	vor.u32 s31, v0;
	s25 =	sadd.s32 $0xD0, s23;
	v26 =	vmulhi.u32 $0x51EB851F, v25  }
0x2c: {  	[sflag:s10] =	ssyncset.done $0x0;
	s26 =	sadd.s32 $0xE0, s23;
	s28 =	sadd.s32 $0xF0, s23;
	v2 =	vshrl.u32 v2, $0x4;
	v38 =	vmulhi.u32 $0x51EB851F, v36;
	v39 =	vor.u32 s25, v0  }
0x2d: {  	[sflag:s10] =	ssyncadd.s32 $0xFFFFFC00;
	v42 =	vor.u32 s26, v0;
	v45 =	vor.u32 s28, v0;
	v41 =	vmulhi.u32 $0x51EB851F, v39  }
0x2e: {  	v5 =	vld [tilespmem:$0xF40];
	v2 =	vmul.u32 $0x32, v2;
	v4 =	vshrl.u32 v4, $0x4;
	v44 =	vmulhi.u32 $0x51EB851F, v42  }
0x2f: {  	v6 =	vld [tilespmem:$0xF50];
	v47 =	vmulhi.u32 $0x51EB851F, v45;
	v4 =	vmul.u32 $0x32, v4  }
0x30: {  	v10 =	vshrl.u32 v10, $0x4;
	v1 =	vsub.s32 v1, v2;
	v2 =	vmulhi.u32 $0x51EB851F, v7  }
0x31: {  	v17 =	vmul.u32 $0x32, v10;
	v1 =	vmul.u32 $0x27, v1;
	v3 =	vsub.s32 v3, v4  }
0x32: {  	v51 =	vshrl.u32 v47, $0x4;
	v3 =	vmul.u32 $0x27, v3;
	v2 =	vshrl.u32 v2, $0x4  }
0x33: {  	v53 =	vmul.u32 $0x32, v51;
	v1 =	vadd.s32 v1, v5;
	v2 =	vmul.u32 $0x32, v2  }
0x34: {  	v63 =	vld [tilespmem:$0xFC0];
	v3 =	vadd.s32 v3, v6;
	v6 =	vshrl.u32 v14, $0x4;
	v14 =	vmulhi.u32 $0x51EB851F, v12  }
0x35: {  	s29 =	sadd.s32 $0xA0, s23;
	v2 =	vsub.s32 v7, v2;
	v6 =	vmul.u32 $0x32, v6;
	v7 =	vshrl.u32 v15, $0x4  }
0x36: {  	v11 =	vld [tilespmem:$0xFD0];
	v15 =	vor.u32 s29, v0;
	v2 =	vmul.u32 $0x27, v2;
	v7 =	vmul.u32 $0x32, v7  }
0x37: {  	v16 =	vld [tilespmem:$0x1050];
	v18 =	vshrl.u32 v14, $0x4;
	v14 =	vshrl.u32 v26, $0x4;
	v4 =	vsub.s32 v62, v6  }
0x38: {  	v6 =	vsub.s32 v9, v17;
	v14 =	vmul.u32 $0x32, v14;
	v9 =	vshrl.u32 v41, $0x4  }
0x39: {  	s30 =	sadd.s32 $0xB0, s23;
	v13 =	vld [tilespmem:$0x1040];
	v2 =	vadd.s32 v2, v63;
	v4 =	vmul.u32 $0x27, v4;
	v7 =	vsub.s32 v8, v7  }
0x3a: {  	v8 =	vmul.u32 $0x32, v18;
	v6 =	vmul.u32 $0x27, v6;
	v18 =	vor.u32 s30, v0  }
0x3b: {  	v9 =	vmul.u32 $0x32, v9;
	v7 =	vmul.u32 $0x27, v7;
	v30 =	vmulhi.u32 $0x51EB851F, v18  }
0x3c: {  	v4 =	vadd.s32 v4, v11;
	v8 =	vsub.s32 v12, v8;
	v5 =	vadd.s32 v6, v16  }
0x3d: {  	v19 =	vld [tilespmem:$0x10C0];
	v11 =	vshrl.u32 v21, $0x4;
	v12 =	vshrl.u32 v24, $0x4;
	v16 =	vmulhi.u32 $0x51EB851F, v15  }
0x3e: {  	v28 =	vld [tilespmem:$0x1140];
	[tilespmem:$0x1740] =	vst v1;
	v7 =	vadd.s32 v7, v13;
	v22 =	vmul.u32 $0x27, v8;
	v12 =	vmul.u32 $0x32, v12  }
0x3f: {  	v27 =	vld [tilespmem:$0x10D0];
	[tilespmem:$0x1750] =	vst v3;
	v11 =	vmul.u32 $0x32, v11;
	v13 =	vsub.s32 v25, v14;
	v34 =	vshrl.u32 v30, $0x4  }
0x40: {  	[tilespmem:$0x1760] =	vst v2;
	v16 =	vshrl.u32 v16, $0x4;
	v31 =	vmul.u32 $0x27, v13;
	v8 =	vsub.s32 v23, v12  }
0x41: {  	v17 =	vld [tilespmem:$0x1150];
	[tilespmem:$0x1770] =	vst v4;
	v35 =	vmul.u32 $0x32, v34;
	v10 =	vsub.s32 v20, v11;
	v8 =	vmul.u32 $0x27, v8  }
0x42: {  	v29 =	vld [tilespmem:$0x11C0];
	[tilespmem:$0x1790] =	vst v5;
	v13 =	vshrl.u32 v44, $0x4;
	v16 =	vmul.u32 $0x32, v16;
	v10 =	vmul.u32 $0x27, v10  }
0x43: {  	v43 =	vld [tilespmem:$0x11D0];
	[tilespmem:$0x1780] =	vst v7;
	v6 =	vadd.s32 v22, v19;
	v3 =	vadd.s32 v8, v28;
	v8 =	vshrl.u32 v38, $0x4  }
0x44: {  	v46 =	vld [tilespmem:$0x1240];
	[tilespmem:$0x17A0] =	vst v6;
	v32 =	vsub.s32 v15, v16;
	v1 =	vadd.s32 v10, v27;
	v8 =	vmul.u32 $0x32, v8  }
0x45: {  	v48 =	vld [tilespmem:$0x1250];
	v50 =	vmul.u32 $0x32, v13;
	v40 =	vsub.s32 v18, v35;
	v33 =	vmul.u32 $0x27, v32;
	[tilespmem:$0x17B0] =	vst v1  }
0x46: {  	v49 =	vld [tilespmem:$0x12C0];
	v2 =	vadd.s32 v31, v17;
	v1 =	vmul.u32 $0x27, v40;
	[tilespmem:$0x17C0] =	vst v3;
	v3 =	vsub.s32 v36, v8  }
0x47: {  	v52 =	vld [tilespmem:$0x12D0];
	[tilespmem:$0x17D0] =	vst v2;
	v37 =	vadd.s32 v33, v29;
	v2 =	vmul.u32 $0x27, v3;
	v3 =	vsub.s32 v39, v9  }
0x48: {  	v54 =	vsub.s32 v42, v50;
	[tilespmem:$0x17E0] =	vst v37;
	v1 =	vadd.s32 v1, v43;
	v3 =	vmul.u32 $0x27, v3  }
0x49: {  	v55 =	vsub.s32 v45, v53;
	[tilespmem:$0x17F0] =	vst v1;
	v1 =	vadd.s32 v2, v46;
	v2 =	vmul.u32 $0x27, v54  }
0x4a: {  	[tilespmem:$0x1800] =	vst v1;
	v1 =	vadd.s32 v3, v48;
	v3 =	vmul.u32 $0x27, v55  }
0x4b: {  	s28 =	sadd.s32 $0x120, s23;
	[tilespmem:$0x1810] =	vst v1;
	v1 =	vadd.s32 v2, v49  }
0x4c: {  	p1 =	seq.s32 s22, $0x0;
	v59 =	vor.u32 s28, v0;
	s28 =	sadd.s32 $0x180, s23;
	[tilespmem:$0x1820] =	vst v1;
	v1 =	vadd.s32 v3, v52  }
0x4d: {  	s24 =	simm.s32 @!p1 $0x2;
	v29 =	vor.u32 s28, v0;
	s28 =	sadd.s32 $0x1E0, s23;
	[tilespmem:$0x1830] =	vst v1  }
0x4e: {  	s31 =	sadd.s32 $0x100, s23;
	v30 =	vmulhi.u32 $0x51EB851F, v29;
	v51 =	vor.u32 s28, v0;
	_ =	swait.ge @!p1 [sflag:s24], $0x8000  }
0x4f: {  	v53 =	vmulhi.u32 $0x51EB851F, v51;
	v1 =	vor.u32 s31, v0;
	s31 =	sadd.s32 $0x150, s23;
	s25 =	rddreg [dreg:$0x6];
	[sflag:s24] =	ssyncset.done @!p1 $0x0  }
0x50: {  	v2 =	vmulhi.u32 $0x51EB851F, v1;
	v16 =	vor.u32 s31, v0;
	s31 =	sadd.s32 $0x1B0, s23;
	s26 =	rddreg [dreg:$0x7];
	[sflag:s24] =	ssyncadd.s32 @!p1 $0xFFFF8000  }
0x51: {  	v17 =	vmulhi.u32 $0x51EB851F, v16;
	[tilespmem:s12], [sflag:$0x1] =	stream.indirect.gather [spmem:s1], $0x20, s25, s11, $0xb8;
	[tilespmem:$0x11940] =	vst v63  }
0x52: {  	v12 =	vshrl.u32 v30, $0x4;
	s29 =	rddreg [dreg:$0x8];
	v39 =	vor.u32 s31, v0;
	v2 =	vshrl.u32 v2, $0x4;
	s25 =	sadd.s32 $0x160, s23  }
0x53: {  	v40 =	vmulhi.u32 $0x51EB851F, v39;
	v2 =	vmul.u32 $0x32, v2;
	v10 =	vshrl.u32 v17, $0x4;
	[tilespmem:s26], [sflag:$0x1] =	stream.indirect.gather [spmem:s1], $0x20, s29, s11, $0xb8;
	[tilespmem:$0x11940] =	vst v63  }
0x54: {  	v12 =	vmul.u32 $0x32, v12;
	v19 =	vor.u32 s25, v0;
	v23 =	vmul.u32 $0x32, v10;
	_ =	swait.ge [sflag:s13], $0x1000  }
0x55: {  	v44 =	vshrl.u32 v40, $0x4;
	s25 =	sadd.s32 $0x1C0, s23;
	v1 =	vsub.s32 v1, v2;
	v2 =	vmulhi.u32 $0x51EB851F, v59;
	[sflag:s13] =	ssyncset.done $0x0  }
0x56: {  	s26 =	sadd.s32 $0x110, s23;
	v21 =	vmulhi.u32 $0x51EB851F, v19;
	v9 =	vmul.u32 $0x32, v44;
	v45 =	vor.u32 s25, v0;
	[sflag:s13] =	ssyncadd.s32 $0xFFFFF000  }
0x57: {  	s29 =	sadd.s32 $0x130, s23;
	v3 =	vor.u32 s26, v0;
	v1 =	vmul.u32 $0x27, v1;
	v47 =	vmulhi.u32 $0x51EB851F, v45;
	_ =	swait.ge [sflag:s13], $0x1000  }
0x58: {  	v60 =	vor.u32 s29, v0;
	s26 =	sadd.s32 $0x170, s23;
	v56 =	vmulhi.u32 $0x51EB851F, v3;
	v2 =	vshrl.u32 v2, $0x4;
	[sflag:s13] =	ssyncset.done $0x0  }
0x59: {  	s29 =	sadd.s32 $0x190, s23;
	v62 =	vmulhi.u32 $0x51EB851F, v60;
	v24 =	vshrl.u32 v21, $0x4;
	v26 =	vor.u32 s26, v0;
	[sflag:s13] =	ssyncadd.s32 $0xFFFFF000  }
0x5a: {  	v31 =	vor.u32 s29, v0;
	v49 =	vsub.s32 v39, v9;
	v27 =	vmulhi.u32 $0x51EB851F, v26;
	[hbm4b:s19+s2] =	stream.linear.scatter [tilespmem:s12], [sflag:$0x2], $0x8000, $0x38;
	[tilespmem:$0x11940] =	vst v63  }
0x5b: {  	s26 =	sadd.s32 $0x1D0, s23;
	v2 =	vmul.u32 $0x32, v2;
	v8 =	vmul.u32 $0x32, v24;
	v32 =	vmulhi.u32 $0x51EB851F, v31;
	s30 =	rddreg [dreg:$0x9]  }
0x5c: {  	v48 =	vor.u32 s26, v0;
	v4 =	vshrl.u32 v56, $0x4;
	v6 =	vshrl.u32 v62, $0x4;
	[tilespmem:s30], [sflag:$0x4] =	stream.linear.gather [hbm4b:s20+s2], $0x400, $0x38;
	[tilespmem:$0x11940] =	vst v63  }
0x5d: {  	v50 =	vmulhi.u32 $0x51EB851F, v48;
	v4 =	vmul.u32 $0x32, v4;
	v2 =	vsub.s32 v59, v2;
	_ =	swait.ge [sflag:s10], $0x400  }
0x5e: {  	v6 =	vmul.u32 $0x32, v6;
	v8 =	vsub.s32 v19, v8;
	v11 =	vshrl.u32 v27, $0x4;
	[sflag:s10] =	ssyncset.done $0x0  }
0x5f: {  	v14 =	vshrl.u32 v32, $0x4;
	v2 =	vmul.u32 $0x27, v2;
	v28 =	vmul.u32 $0x27, v8;
	[sflag:s10] =	ssyncadd.s32 $0xFFFFFC00  }
0x60: {  	v11 =	vmul.u32 $0x32, v11;
	v14 =	vmul.u32 $0x32, v14;
	v8 =	vsub.s32 v29, v12;
	v57 =	vld [tilespmem:$0x1340]  }
0x61: {  	v9 =	vshrl.u32 v50, $0x4;
	v3 =	vsub.s32 v3, v4;
	v4 =	vsub.s32 v60, v6;
	v58 =	vld [tilespmem:$0x1350]  }
0x62: {  	v6 =	vsub.s32 v16, v23;
	v8 =	vmul.u32 $0x27, v8;
	v9 =	vmul.u32 $0x32, v9;
	s30 =	sadd.s32 $0x140, s23;
	v61 =	vld [tilespmem:$0x13C0]  }
0x63: {  	v3 =	vmul.u32 $0x27, v3;
	v4 =	vmul.u32 $0x27, v4;
	v63 =	vor.u32 s30, v0;
	v18 =	vld [tilespmem:$0x13D0]  }
0x64: {  	v10 =	vsub.s32 v26, v11;
	v13 =	vsub.s32 v31, v14;
	v15 =	vmulhi.u32 $0x51EB851F, v63;
	v20 =	vld [tilespmem:$0x1440]  }
0x65: {  	v6 =	vmul.u32 $0x27, v6;
	v10 =	vmul.u32 $0x27, v10;
	v42 =	vmul.u32 $0x27, v13;
	v22 =	vld [tilespmem:$0x1450]  }
0x66: {  	v13 =	vshrl.u32 v53, $0x4;
	s30 =	sadd.s32 $0x1A0, s23;
	v7 =	vshrl.u32 v15, $0x4;
	v25 =	vld [tilespmem:$0x14C0];
	v1 =	vadd.s32 v1, v57  }
0x67: {  	s23 =	sadd.s32 $0x1F0, s23;
	v33 =	vor.u32 s30, v0;
	v36 =	vld [tilespmem:$0x1540];
	v7 =	vmul.u32 $0x32, v7;
	v3 =	vadd.s32 v3, v58;
	[tilespmem:$0x1840] =	vst v1  }
0x68: {  	v54 =	vor.u32 s23, v0;
	v35 =	vmulhi.u32 $0x51EB851F, v33;
	v34 =	vld [tilespmem:$0x14D0];
	v2 =	vadd.s32 v2, v61;
	[tilespmem:$0x1850] =	vst v3  }
0x69: {  	v56 =	vmulhi.u32 $0x51EB851F, v54;
	v7 =	vsub.s32 v63, v7;
	v4 =	vadd.s32 v4, v18;
	[tilespmem:$0x1860] =	vst v2  }
0x6a: {  	v37 =	vld [tilespmem:$0x1550];
	v16 =	vshrl.u32 v35, $0x4;
	v7 =	vmul.u32 $0x27, v7;
	v5 =	vadd.s32 v6, v22;
	[tilespmem:$0x1870] =	vst v4  }
0x6b: {  	v38 =	vld [tilespmem:$0x15C0];
	v60 =	vshrl.u32 v56, $0x4;
	v16 =	vmul.u32 $0x32, v16;
	v6 =	vadd.s32 v28, v25;
	[tilespmem:$0x1890] =	vst v5  }
0x6c: {  	v52 =	vld [tilespmem:$0x15D0];
	v7 =	vadd.s32 v7, v20;
	v3 =	vadd.s32 v8, v36;
	v8 =	vshrl.u32 v47, $0x4;
	[tilespmem:$0x18A0] =	vst v6  }
0x6d: {  	v55 =	vld [tilespmem:$0x1640];
	v41 =	vsub.s32 v33, v16;
	v1 =	vadd.s32 v10, v34;
	[tilespmem:$0x1880] =	vst v7;
	v8 =	vmul.u32 $0x32, v8  }
0x6e: {  	v59 =	vmul.u32 $0x32, v13;
	v62 =	vmul.u32 $0x32, v60;
	v43 =	vmul.u32 $0x27, v41;
	v57 =	vld [tilespmem:$0x1650];
	[tilespmem:$0x18B0] =	vst v1  }
0x6f: {  	v58 =	vld [tilespmem:$0x16C0];
	v2 =	vadd.s32 v42, v37;
	v1 =	vmul.u32 $0x27, v49;
	[tilespmem:$0x18C0] =	vst v3;
	v3 =	vsub.s32 v45, v8  }
0x70: {  	v61 =	vld [tilespmem:$0x16D0];
	v46 =	vadd.s32 v43, v38;
	[tilespmem:$0x18D0] =	vst v2;
	v2 =	vmul.u32 $0x27, v3;
	v3 =	vsub.s32 v48, v9  }
0x71: {  	v63 =	vsub.s32 v51, v59;
	[tilespmem:$0x18E0] =	vst v46;
	v1 =	vadd.s32 v1, v52;
	v3 =	vmul.u32 $0x27, v3  }
0x72: {  	v4 =	vmul.u32 $0x27, v63;
	[tilespmem:$0x18F0] =	vst v1;
	v1 =	vadd.s32 v2, v55;
	v2 =	vsub.s32 v54, v62  }
0x73: {  	[tilespmem:$0x1900] =	vst v1;
	v1 =	vadd.s32 v3, v57;
	v2 =	vmul.u32 $0x27, v2  }
0x74: {  	[tilespmem:$0x1910] =	vst v1;
	v1 =	vadd.s32 v4, v58  }
0x75: {  	[tilespmem:$0x1920] =	vst v1;
	v1 =	vadd.s32 v2, v61  }
0x76: {  	s23 =	simm.s32 @!p1 $0x3;
	[tilespmem:$0x1930] =	vst v1  }
0x77: {  	_ =	swait.ge @!p1 [sflag:s23], $0x8000  }
0x78: {  	s29 =	rddreg [dreg:$0xa];
	[sflag:s23] =	ssyncset.done @!p1 $0x0  }
0x79: {  	s30 =	rddreg [dreg:$0xb];
	[sflag:s23] =	ssyncadd.s32 @!p1 $0xFFFF8000  }
0x7a: {  	[tilespmem:s14], [sflag:$0x1] =	stream.indirect.gather [spmem:s1], $0x20, s29, s11, $0xb8;
	[tilespmem:$0x11940] =	vst v63  }
0x7b: {  	s31 =	rddreg [dreg:$0xc]  }
0x7c: {  	[tilespmem:s30], [sflag:$0x1] =	stream.indirect.gather [spmem:s1], $0x20, s31, s11, $0xb8;
	[tilespmem:$0x11940] =	vst v63  }
0x7d: {  	_ =	swait.ge [sflag:s13], $0x1000  }
0x7e: {  	s22 =	sadd.s32 $0x200, s22;
	[sflag:s13] =	ssyncset.done $0x0  }
0x7f: {  	p1 =	sne.s32 s22, $0x6400;
	[sflag:s13] =	ssyncadd.s32 $0xFFFFF000  }
.Ltmp0:
0x80: {  	_ =	swait.ge [sflag:s13], $0x1000;
	(pc) =	sbr.rel @p1 .LBB2_2-.Ltmp0, $4  }
0x81: {  	[sflag:s13] =	ssyncset.done $0x0  }
0x82: {  	s18 =	sadd.s32 $0x100, s18;
	[sflag:s13] =	ssyncadd.s32 $0xFFFFF000  }
0x83: {  	[hbm4b:s21+s2] =	stream.linear.scatter [tilespmem:s14], [sflag:$0x3], $0x8000, $0x38;
	[tilespmem:$0x11940] =	vst v63  }
0x84: {  	s19 =	sadd.s32 $0x2000, s19;
	s20 =	sadd.s32 $0x100, s20;
	s21 =	sadd.s32 $0x2000, s21  }
0x85: {  	s17 =	sadd.s32 $0x1, s17  }
0x86: {  	_ =	swait.ge [sflag:s15], $0x8000;
	p1 =	sne.s32 s17, s4  }
.Ltmp1:
0x87: {  	[sflag:s15] =	ssyncset.done $0x0;
	(pc) =	sbr.rel @p1 .LBB2_1-.Ltmp1, $4  }
0x88: {  	[sflag:s15] =	ssyncadd.s32 $0xFFFF8000  }
0x89: {  	_ =	swait.ge [sflag:s16], $0x8000  }
0x8a: {  	[sflag:s16] =	ssyncset.done $0x0  }
0x8b: {  	[sflag:s16] =	ssyncadd.s32 $0xFFFF8000  }
0x8c: {  	_ =	sfence.sel $0x180000  }
0x8d: {  	[bflag:$0x0] =	sbarrier.arrive $0xFFFF  }
0x8e: {  	_ =	strace $0x90000047  }
0x8f: {  	s0 =	sadd.s32 @!p0 $0x100000, s0;
	[bflag:$0x2] =	sbarrier.arrive $0xFFFF  }
0x90: {  	[sflag:s0] =	ssyncadd.tile.s32 @!p0 $0x1;
	_ =	shalt  }
.Lfunc_end2:
_tile_overlayer_lowered:
.L_overlay_start_2:
0x91: {  	(tag) =	ssettag $0x2  }
0x92: {  	s0 =	rddreg [dreg:$0x0];
	s2 =	stileid.u32  }
0x93: {  	s1 =	rddreg [dreg:$0x1];
	p0 =	sne.s32 s2, $0x0  }
0x94: {  	s3 =	rddreg [dreg:$0x2];
	[bflag:$0x3] =	sbarrier.arrive $0xFFFF;
	s2 =	simm.s32 @!p0 $0x1C04  }
0x95: {  	[timem:s3], [sflag:s2] =	dma.local @!p0 [hbm:s0], s1  }
0x96: {  	s0 =	simm.s32 @!p0 $0x4  }
0x97: {  	_ =	swait.ge @!p0 [sflag:s0], s1  }
0x98: {  	s1 =	ssub.s32 @!p0 $0x0, s1;
	[sflag:s0] =	ssyncset.done @!p0 $0x0  }
0x99: {  	[sflag:s0] =	ssyncadd.s32 @!p0 s1  }
0x9a: {  	[bflag:$0x3] =	sbarrier.arrive $0xFFFF  }
0x9b: {  	_ =	shalt  }

// kernel: sparse-core-data-format-call.cloned.1.call-start
scs
called_computation_lowered:
.L_overlay_start_0:
0x0: {  	s2 =	sld [smem:$0x3FD9]  }
0x1: {  	s3 =	sld [smem:$0x3FFE];
	_ =	sdelay $0x1  }
0x2: {  	s1 =	srdreg.scid  }
0x3: {  	s0 =	sand.u32 $0x1, s1  }
0x4: {  	s18 =	sshll.u32 s0, $0xA;
	s2 =	sadd.s32 s3, s2  }
0x5: {  	s2 =	sadd.s32 s2, s18  }
0x6: {  	[smem:$0x3FC5] =	sst s2  }
0x7: {  	_ = 	snop  }
0x8: {  	s2 =	sld [smem:$0x3FD0];
	(tm) =	ssettm $0x1  }
0x9: {  	s19 =	sld [smem:$0x3FFB];
	_ =	sdelay $0x3  }
0xa: {  	_ =	strace s19  }
0xb: {  	s3 =	sld [smem:$0x3FFC];
	_ =	sdelay $0x3  }
0xc: {  	_ =	strace s3  }
0xd: {  	s3 =	sld [smem:$0x3FFD];
	_ =	sdelay $0x3  }
0xe: {  	_ =	strace s3  }
0xf: {  	_ =	strace $0x8FFFFFFF  }
0x10: {  	s20 =	sld [smem:$0x3FDB];
	_ =	sdelay $0x1  }
0x11: {  	s4 =	simm.s32 $_scs_section_size  }
0x12: {  	s5 =	simm.s32 $_size__tile_overlayer_lowered;
	s6 =	simm.s32 $_tile_overlayer_lowered  }
0x13: {  	s23 =	simm.s32 $0x1BFF;
	s22 =	sshll.u32 s6, $0x1;
	s3 =	sadd.s32 s4, s20  }
0x14: {  	s7 =	simm.s32 $0x0;
	s21 =	sshll.u32 s5, $0x1;
	s5 =	sadd.s32 s22, s3  }
0x15: {  	[timem:s7], [sflag:s23] =	dma.local [hbm:s5], s21  }
0x16: {  	_ =	swait.ge [sflag:s23], s21  }
0x17: {  	s4 =	ssub.s32 $0x0, s21;
	[sflag:s23] =	ssyncset.done $0x0  }
0x18: {  	[sflag:s23] =	ssyncadd.s32 s4;
	_ =	sdelay $0x1  }
0x19: {  	s24 =	simm.s32 $0x1B8B  }
0x1a: {  	_ =	swait.ge [sflag:s24], $0x1  }
0x1b: {  	[sflag:s24] =	ssyncset.done $0x0  }
0x1c: {  	s26 =	simm.s32 $0x1B8E;
	s25 =	sld [smem:$0x3FFE];
	[sflag:s24] =	ssyncadd.s32 $0xFFFFFFFF  }
0x1d: {  	s27 =	simm.s32 $execute0_lowered;
	[smem:$0x3FD2] =	sst s26  }
0x1e: {  	s5 =	sshll.u32 s27, $0x1;
	_ =	strace $0x80000049;
	[dreg:$0x1] =	wrdreg $0xFFFFFFFF  }
0x1f: {  	s28 =	simm.s32 $_size_execute0_lowered;
	s3 =	sadd.s32 s3, s5;
	[dreg:$0x0] =	wrdreg $0x0  }
0x20: {  	s5 =	sshll.u32 s28, $0x1;
	[dreg:$0x2] =	wrdreg s3  }
0x21: {  	[dreg:$0x3] =	wrdreg s5  }
0x22: {  	[dreg:$0x4] =	wrdreg $0xC0  }
0x23: {  	_ =	task [dreg:s7], $0x5FFFF  }
0x24: {  	[dreg:$0x1] =	wrdreg $0xFFFFFFFF  }
0x25: {  	[dreg:$0x0] =	wrdreg $0x60  }
0x26: {  	[dreg:$0x2] =	wrdreg s25  }
0x27: {  	[dreg:$0x3] =	wrdreg s2  }
0x28: {  	[dreg:$0x4] =	wrdreg $0x9  }
0x29: {  	_ =	task.clear_ibuf [dreg:s7], $0x5FFFF;
	_ =	strace $0x90000049  }
0x2a: {  	s29 =	simm.s32 $0x9;
	_ =	strace $0x8000004B  }
0x2b: {  	_ =	swait.ge [sflag:s29], $0x1  }
0x2c: {  	[sflag:s29] =	ssyncadd.s32 $0xFFFFFFFF  }
0x2d: {  	_ =	strace $0x9000004B  }
0x2e: {  	_ =	sfence  }
0x2f: {  	s30 =	sld [smem:$0x0];
	_ =	sdelay $0x2  }
0x30: {  	s31 =	sshll.u32 s1, $0xD;
	s1 =	sshrl.u32 s1, $0x2  }
0x31: {  	s3 =	sand.u32 $0x4000, s31;
	s1 =	sadd.s32 s1, s30  }
0x32: {  	s0 =	sor.u32 s3, s0;
	s1 =	sshll.u32 s1, $0x11  }
0x33: {  	s0 =	sor.u32 s1, s0  }
0x34: {  	s0 =	sadd.s32 $0x8F2B, s0  }
0x35: {  	[sflag:s0] =	ssyncadd.remote.s32 $0x1  }
0x36: {  	_ =	sfence.sel $0xFFFF  }
0x37: {  	[dreg:$0x0] =	wrdreg $0xFFFFFFFF;
	(pc) =	sbr.abs _section_cstart, $3  }
0x38: {  	[dreg:$0x1] =	wrdreg $0xFFFFFFFF  }
0x39: {  	_ =	task.clear_ibuf [dreg:s7], $0x2FFFF;
	_ =	strace $0x9FFFFFFF  }
0x3a: {  	(tm) =	ssettm $0x7FFFFFFF  }
0x3b: {  	_ =	shalt  }
tec
execute0_lowered:
.L_overlay_start_1:
0x0: {  	(tag) =	ssettag $0x1  }
0x1: {  	s8 =	rddreg [dreg:$0x0]  }
0x2: {  	s2 =	rddreg [dreg:$0x1];
	s1 =	stileid.u32  }
0x3: {  	s4 =	srdreg.scid;
	s0 =	rddreg [dreg:$0x2];
	_ =	strace $0x8000004A  }
0x4: {  	s9 =	simm.s32 $0x1;
	s31 =	simm.s32 $0x2;
	s16 =	simm.s32 $0x0  }
0x5: {  	s17 =	simm.s32 $0x0;
	s11 =	simm.s32 $0x0;
	s12 =	simm.s32 $0x0  }
0x6: {  	s15 =	simm.s32 $0x0;
	s3 =	sshll.u32 s1, $0x1;
	s4 =	sshll.u32 s4, $0x7  }
0x7: {  	s4 =	sand.u32 $0x80, s4;
	s5 =	ssub.s32 $0x20, s3;
	s14 =	smov.u32 s3  }
0x8: {  	s6 =	sshrl.u32 s5, $0x5;
	s5 =	sand.u32 $0x1E, s5;
	s7 =	ssub.s32 $0x4000, s4  }
0x9: {  	p0 =	sne.s32 s5, $0x0;
	s30 =	sshrl.u32 s7, $0x7;
	s7 =	sshrl.u32 s7, $0x8  }
.Ltmp0:
0xa: {  	s9 =	simm.s32 @!p0 $0x0;
	s10 =	sand.u32 $0x1, s30;
	(pc) =	sbr.rel .LBB1_1-.Ltmp0, $4  }
0xb: {  	s5 =	simm.s32 $0x1;
	s6 =	sadd.s32 s9, s6;
	s7 =	sadd.s32 s7, s10  }
0xc: {  	s13 =	smov.u32 s4;
	[sflag:s5] =	ssyncpa.u1 $0x0;
	s6 =	smul.u32 s6, s7  }
0xd: {  	p0 =	por $0x0, $0x0;
	[sflag:s31] =	ssyncpa.u1 $0x0;
	s10 =	simm.s32 $0x80000  }
0xe: {  	s7 =	sadd.s32 $0x800, s8;
	s8 =	sadd.s32 $0x40800, s8;
	s9 =	sadd.s32 $0x1, s6  }
.LBB1_7:
0xf: {  	p1 =	slt.u32 s15, $0x2  }
0x10: {  	s19 =	smov.u32 s17;
	p2 =	sgt.s32 @!p1 s17, $0x1E;
	s18 =	sshra.s32 @!p1 s17, $0x1F  }
0x11: {  	p3 =	sgt.s32 @!p1 s16, $0x3F80;
	s20 =	sshra.s32 @!p1 s16, $0x1F;
	p2 =	por !p2, p1  }
0x12: {  	s17 =	sand.u32 @!p1 s18, s17;
	p3 =	por !p3, p1;
	s18 =	smov.u32 s16  }
0x13: {  	s16 =	sand.u32 @!p1 s20, s16;
	s19 =	simm.s32 @p2 $0x1E;
	s18 =	simm.s32 @p3 $0x3F80  }
0x14: {  	s20 =	smov.u32 s14;
	s17 =	ssub.s32 @!p1 s19, s17;
	s16 =	ssub.s32 @!p1 s18, s16  }
0x15: {  	s18 =	sadd.s32 @!p1 $0xFFFFFFE2, s17;
	s17 =	ssub.s32 @!p1 $0x20, s17;
	s19 =	sadd.s32 @!p1 $0xFFFFC080, s16  }
0x16: {  	p2 =	sgt.s32 @!p1 s18, $0x1;
	s17 =	smul.u32 @!p1 $0x32, s17;
	p3 =	sgt.s32 @!p1 s19, $0x7F  }
0x17: {  	s16 =	ssub.s32 @!p1 $0x4000, s16;
	p2 =	por !p2, p1;
	p3 =	por !p3, p1  }
0x18: {  	s18 =	sadd.s32 $0x100, s13;
	s17 =	simm.s32 @!p2 $0x0;
	s16 =	simm.s32 @!p3 $0x0  }
0x19: {  	p2 =	sgt.s32 s18, $0x3FFF;
	s16 =	smul.u32 @!p1 s16, s17;
	s17 =	sadd.s32 $0x20, s14  }
0x1a: {  	s20 =	smov.u32 @p2 s17  }
0x1b: {  	s18 =	smov.u32 @p2 s4;
	p2 =	sgt.s32 s20, $0x1F  }
0x1c: {  	s20 =	smov.u32 @p2 s3;
	p2 =	sne.s32 s15, s9  }
.Ltmp1:
0x1d: {  	p0 =	por !p0, !p0;
	s19 =	simm.s32 @!p1 $0x2;
	(pc) =	sbr.rel @!p2 .LBB1_8-.Ltmp1, $4  }
0x1e: {  	s17 =	smov.u32 s12;
	s12 =	smov.u32 s14;
	s16 =	sand.u32 @!p1 $0x3FFFFFFE, s16  }
0x1f: {  	_ =	swait.ge @!p1 [sflag:s19], s16;
	s21 =	ssub.s32 @!p1 $0x0, s16;
	s16 =	smov.u32 s11  }
0x20: {  	s15 =	sadd.s32 $0x1, s15;
	s11 =	smov.u32 s13;
	[sflag:s19] =	ssyncset.done @!p1 $0x0  }
0x21: {  	s13 =	smov.u32 s18;
	s14 =	smov.u32 s20;
	[sflag:s19] =	ssyncadd.s32 @!p1 s21  }
.LBB1_1:
0x22: {  	p1 =	sge.u32 s15, s6  }
0x23: {  	s18 =	sxor.u32 @!p1 $0xFFFFFFFF, s15;
	s19 =	sshll.u32 @!p1 s14, $0x12  }
0x24: {  	s20 =	sshll.u32 @!p1 s13, $0x4;
	s22 =	simm.s32 @!p1 $0x40;
	s23 =	simm.s32 @!p1 $0x80  }
0x25: {  	s18 =	sshll.u32 @!p1 s18, $0xE;
	s20 =	sand.u32 @!p1 $0x3FFF0, s20;
	s21 =	sadd.s32 @!p1 s7, s19  }
0x26: {  	s19 =	sadd.s32 @!p1 s19, s8;
	s18 =	sand.u32 @!p1 $0x4000, s18;
	s21 =	sadd.s32 @!p1 s20, s21  }
0x27: {  	[tilespmem:s18], [sflag:$0x1] =	stream.strided.gather @!p1 [hbm4b:s21+s22], $0x2000, s23, s22, $0x38;
	[tilespmem:$0x10100] =	vst v63  }
0x28: {  	s31 =	sadd.s32 $0xFFFFFFFF, s15;
	s19 =	sadd.s32 @!p1 s20, s19;
	s18 =	sor.u32 @!p1 $0x2000, s18  }
0x29: {  	[tilespmem:s18], [sflag:$0x1] =	stream.strided.gather @!p1 [hbm4b:s19+s22], $0x2000, s23, s22, $0x38;
	[tilespmem:$0x10100] =	vst v63  }
0x2a: {  	p1 =	sge.u32 s31, s6  }
.Ltmp2:
0x2b: {  	_ = 	snop;
	(pc) =	sbr.rel @p1 .LBB1_7-.Ltmp2, $1  }
0x2c: {  	_ =	sdelay $0x3  }
0x2d: {  	s18 =	simm.s32 $0x1;
	s20 =	sand.u32 $0x1, s15  }
0x2e: {  	_ =	swait.ge [sflag:s5], $0x4000;
	s18 =	simm.s32 @!p0 $0x0;
	s20 =	smul.u32 $0x10200, s20  }
0x2f: {  	p2 =	por $0x1, $0x1;
	[sflag:s5] =	ssyncset.done $0x0;
	s19 =	smul.u32 $0x10200, s18  }
0x30: {  	s21 =	sshll.u32 s18, $0x10;
	[sflag:s5] =	ssyncadd.s32 $0xFFFFC000;
	s30 =	sshrl.u32 s20, $0x2  }
0x31: {  	s31 =	sshrl.u32 s21, $0x2;
	s21 =	simm.s32 $0x0;
	s19 =	sshrl.u32 s19, $0x2  }
0x32: {  	s18 =	sor.u32 $0x8000, s30;
	s20 =	sadd.s32 $0x20, s31;
	s19 =	sor.u32 $0x8000, s19  }
.LBB1_3:
0x33: {  	s22 =	sshll.u32 s21, $0xD  }
0x34: {  	s22 =	sand.u32 $0x3FFFE000, s22  }
0x35: {  	s24 =	sadd.s32 s22, s20  }
0x36: {  	s31 =	smul.u32 $0x204, s21;
	v3 =	vld [tilespmem:s24+$0x10]  }
0x37: {  	v1 =	vld [tilespmem:s24+$0xFFFFFFF0]  }
0x38: {  	s21 =	sshra.s32 s31, $0x2;
	v0 =	vld [tilespmem:s24+$0x0]  }
0x39: {  	s21 =	sadd.s32 s21, s19;
	v2 =	vld [tilespmem:s24+$0xFFFFFFE0]  }
0x3a: {  	s22 =	sadd.s32 $0x0, s21  }
0x3b: {  	p1 =	por p2, p2;
	s23 =	simm.s32 $0x4;
	s24 =	sadd.s32 $0x40, s24;
	[tilespmem:s22+$0x3060 ss:$0x102] =	vst.msk $0xffff, v3  }
.LBB1_4:
0x3c: {  	v3 =	vld [tilespmem:s24+$0x10];
	p2 =	sne.s32 s23, $0x1FC;
	[tilespmem:s22+$0x1020 ss:$0x102] =	vst.msk $0xffff, v1;
	s25 =	smov.u32 s23;
	s23 =	sadd.s32 $0x4, s23  }
.Ltmp3:
0x3d: {  	v1 =	vld [tilespmem:s24+$0xFFFFFFF0];
	[tilespmem:s22+$0x2040 ss:$0x102] =	vst.msk $0xffff, v0;
	(pc) =	sbr.rel @p2 .LBB1_4-.Ltmp3, $4  }
0x3e: {  	v0 =	vld [tilespmem:s24+$0x0];
	[tilespmem:s22+$0x0 ss:$0x102] =	vst.msk $0xffff, v2  }
0x3f: {  	s22 =	sshra.s32 s25, $0x2;
	v2 =	vld [tilespmem:s24+$0xFFFFFFE0]  }
0x40: {  	s22 =	sadd.s32 s22, s21  }
0x41: {  	s24 =	sadd.s32 $0x40, s24;
	[tilespmem:s22+$0x3060 ss:$0x102] =	vst.msk $0xffff, v3  }
.Ltmp4:
0x42: {  	(pc) =	sbr.rel @p1 .LBB1_3-.Ltmp4, $4  }
0x43: {  	_ = 	snop  }
0x44: {  	[tilespmem:s22+$0x1020 ss:$0x102] =	vst.msk $0xffff, v1  }
0x45: {  	[tilespmem:s22+$0x2040 ss:$0x102] =	vst.msk $0xffff, v0  }
0x46: {  	s21 =	simm.s32 $0x1;
	p2 =	por $0x0, $0x0;
	[tilespmem:s22+$0x0 ss:$0x102] =	vst.msk $0xffff, v2  }
0x47: {  	s19 =	sand.u32 $0x78, s11;
	p1 =	sgt.s32 s12, $0x1E;
	s20 =	smov.u32 s12  }
0x48: {  	s21 =	sshra.s32 s12, $0x1F;
	s22 =	sshll.u32 s12, $0xE;
	s23 =	sshll.u32 s11, $0x3  }
0x49: {  	s30 =	sshra.s32 s11, $0x1F;
	s25 =	sshll.u32 s12, $0x7;
	s20 =	simm.s32 @!p1 $0x1E  }
0x4a: {  	s21 =	sand.u32 s21, s12;
	s22 =	sand.u32 $0x60000, s22;
	p1 =	sgt.s32 s11, $0x3F80  }
0x4b: {  	s25 =	sand.u32 $0x380, s25;
	s20 =	ssub.s32 s20, s21;
	s21 =	smov.u32 s11  }
0x4c: {  	s22 =	sadd.s32 s22, s23;
	s24 =	sadd.s32 $0xFFFFFFE2, s20;
	s21 =	simm.s32 @!p1 $0x3F80  }
0x4d: {  	s20 =	ssub.s32 $0x20, s20;
	p1 =	sgt.s32 s24, $0x1;
	s24 =	sand.u32 s30, s11  }
0x4e: {  	s23 =	sand.u32 $0x3C00, s23;
	s20 =	smul.u32 $0x32, s20;
	s21 =	ssub.s32 s21, s24  }
0x4f: {  	s19 =	sor.u32 s25, s19;
	s22 =	sand.u32 $0x7C000, s22;
	s24 =	sadd.s32 $0xFFFFC080, s21  }
0x50: {  	s20 =	simm.s32 @p1 $0x0;
	s21 =	ssub.s32 $0x4000, s21;
	p1 =	sgt.s32 s24, $0x7F  }
.Ltmp5:
0x51: {  	s19 =	sor.u32 s23, s19;
	s21 =	simm.s32 @p1 $0x0;
	(pc) =	sbr.rel .LBB1_7-.Ltmp5, $4  }
0x52: {  	s31 =	sand.u32 $0x7, s11;
	s19 =	sor.u32 s22, s19;
	s20 =	smul.u32 s21, s20  }
0x53: {  	s19 =	sshrl.u32 s19, $0x3;
	s21 =	sshll.u32 s31, $0x12  }
0x54: {  	s19 =	sadd.s32 s2, s19;
	s21 =	sor.u32 $0x100, s21;
	s20 =	sand.u32 $0x3FFFFFFE, s20  }
0x55: {  	[hbm4b:s19+s21] =	stream.strided.scatter [tilespmem:s18], [sflag:$0x2], s20, s10, s21, $0x20;
	[tilespmem:$0x10100] =	vst v63  }
.LBB1_8:
0x56: {  	_ =	sfence.sel $0x180000  }
0x57: {  	s2 =	simm.s32 $0x1;
	[bflag:$0x0] =	sbarrier.arrive $0xFFFF  }
0x58: {  	s31 =	simm.s32 $0x2;
	[sflag:s2] =	ssyncpa.u1 $0x1  }
0x59: {  	[sflag:s31] =	ssyncpa.u1 $0x1  }
0x5a: {  	p0 =	sne.s32 s1, $0x0;
	_ =	strace $0x9000004A  }
0x5b: {  	s0 =	sadd.s32 @!p0 $0x100000, s0;
	[bflag:$0x2] =	sbarrier.arrive $0xFFFF  }
0x5c: {  	[sflag:s0] =	ssyncadd.tile.s32 @!p0 $0x1;
	_ =	shalt  }
.Lfunc_end1:
_tile_overlayer_lowered:
.L_overlay_start_2:
0x5d: {  	(tag) =	ssettag $0x2  }
0x5e: {  	s0 =	rddreg [dreg:$0x0];
	s2 =	stileid.u32  }
0x5f: {  	s1 =	rddreg [dreg:$0x1];
	p0 =	sne.s32 s2, $0x0  }
0x60: {  	s3 =	rddreg [dreg:$0x2];
	[bflag:$0x3] =	sbarrier.arrive $0xFFFF;
	s2 =	simm.s32 @!p0 $0x1C01  }
0x61: {  	[timem:s3], [sflag:s2] =	dma.local @!p0 [hbm:s0], s1  }
0x62: {  	s0 =	simm.s32 @!p0 $0x1  }
0x63: {  	_ =	swait.ge @!p0 [sflag:s0], s1  }
0x64: {  	s1 =	ssub.s32 @!p0 $0x0, s1;
	[sflag:s0] =	ssyncset.done @!p0 $0x0  }
0x65: {  	[sflag:s0] =	ssyncadd.s32 @!p0 s1  }
0x66: {  	[bflag:$0x3] =	sbarrier.arrive $0xFFFF  }
0x67: {  	_ =	shalt  }

</sc_bundles>
